<compile_context>
chip_gen: v7x
topology: tpu7x:2x2x1
jax: 0.10.2.dev20260603
libtpu: 0.0.44.dev20260713+nightly
codegen_flags: <defaults>
</compile_context>

<pallas_src>
import functools

import jax
import jax.numpy as jnp
from jax import lax
from jax.experimental import pallas as pl
from jax.experimental.pallas import tpu as pltpu
from jax.experimental.pallas import tpu_sc as plsc

NC = 2
NS = 16
NW = NC * NS
CHUNK = 128


def _pad_amounts(N, E):
    Np = ((N + 1 + 2047) // 2048) * 2048
    per_tile = -(-E // NW)
    CH = -(-per_tile // CHUNK)
    if CH % 2:
        CH += 1
    Ep = NW * CH * CHUNK
    return Np, Ep, CH


def _sc_deg(col3, ones_h, zeros1, Np, CH):
    mesh = plsc.VectorSubcoreMesh(core_axis_name="c", subcore_axis_name="s")
    rows_per = Np // NS

    @functools.partial(
        pl.kernel,
        out_type=jax.ShapeDtypeStruct((NC, Np), jnp.float32),
        mesh=mesh,
        scratch_types=[
            pltpu.VMEM((CH, CHUNK), jnp.int32),
            pltpu.VMEM((CHUNK,), jnp.float32),
            pltpu.VMEM_SHARED((Np,), jnp.float32),
        ],
    )
    def k(col_h, ones_hbm, z_h, out_h, colv, onesv, acc):
        cid = lax.axis_index("c")
        sid = lax.axis_index("s")
        wid = cid * NS + sid
        r0 = sid * rows_per
        pltpu.sync_copy(z_h.at[pl.ds(r0, rows_per)], acc.at[pl.ds(r0, rows_per)])
        pltpu.sync_copy(ones_hbm, onesv)
        pltpu.sync_copy(col_h.at[wid], colv)
        plsc.subcore_barrier()

        @pl.loop(0, CH)
        def _(j):
            pltpu.sync_copy(onesv, acc.at[colv.at[j]], add=True)

        plsc.subcore_barrier()
        pltpu.sync_copy(acc.at[pl.ds(r0, rows_per)],
                        out_h.at[cid].at[pl.ds(r0, rows_per)])

    return k(col3, ones_h, zeros1)


def _sc_agg(u, row3, col3, zeros2, Np, CH, Cw):
    mesh = plsc.VectorSubcoreMesh(core_axis_name="c", subcore_axis_name="s")
    rows_per = Np // NS

    @functools.partial(
        pl.kernel,
        out_type=jax.ShapeDtypeStruct((NC, Np, Cw), jnp.float32),
        mesh=mesh,
        compiler_params=pltpu.CompilerParams(use_tc_tiling_on_sc=False),
        scratch_types=[
            pltpu.VMEM((CH, CHUNK), jnp.int32),
            pltpu.VMEM((CH, CHUNK), jnp.int32),
            pltpu.VMEM((CHUNK, Cw), jnp.float32),
            pltpu.VMEM_SHARED((Np, Cw), jnp.float32),
            pltpu.SemaphoreType.DMA,
        ],
    )
    def k(u_h, row_h, col_h, z_h, out_h, rowv, colv, buf, acc, sem):
        cid = lax.axis_index("c")
        sid = lax.axis_index("s")
        wid = cid * NS + sid
        r0 = sid * rows_per
        pltpu.sync_copy(z_h.at[pl.ds(r0, rows_per)], acc.at[pl.ds(r0, rows_per)])
        pltpu.sync_copy(row_h.at[wid], rowv)
        pltpu.sync_copy(col_h.at[wid], colv)
        plsc.subcore_barrier()

        @pl.loop(0, CH)
        def _(j):
            pltpu.async_copy(u_h.at[rowv.at[j]], buf, sem).wait()
            pltpu.sync_copy(buf, acc.at[colv.at[j]], add=True)

        plsc.subcore_barrier()
        pltpu.sync_copy(acc.at[pl.ds(r0, rows_per)],
                        out_h.at[cid].at[pl.ds(r0, rows_per)])

    return k(u, row3, col3, zeros2)


def _tc_prep(xp, W, degp):
    Np, D = xp.shape
    C = W.shape[0]

    def body(x_ref, w_ref, deg_ref, u0_ref, dinv_ref, dinv2_ref):
        deg = deg_ref[0] + deg_ref[1]
        pos = deg > 0.0
        dinv = jnp.where(pos, lax.rsqrt(deg), 0.0)
        y = lax.dot_general(x_ref[...], w_ref[...], (((1,), (1,)), ((), ())),
                            preferred_element_type=jnp.float32)
        u0_ref[...] = y * dinv[:, None]
        dinv_ref[...] = dinv
        dinv2_ref[...] = jnp.where(pos, 1.0 / deg, 0.0)

    return pl.pallas_call(
        body,
        out_shape=[
            jax.ShapeDtypeStruct((Np, C), jnp.float32),
            jax.ShapeDtypeStruct((Np,), jnp.float32),
            jax.ShapeDtypeStruct((Np,), jnp.float32),
        ],
    )(xp, W, degp)


def _tc_combine(p, scale):
    _, Np, C = p.shape

    def body(p_ref, s_ref, o_ref):
        o_ref[...] = (p_ref[0] + p_ref[1]) * s_ref[...][:, None]

    return pl.pallas_call(
        body,
        out_shape=jax.ShapeDtypeStruct((Np, C), jnp.float32),
    )(p, scale)


def kernel(x, edge_index, W):
    N, D = x.shape
    C = W.shape[0]
    E = edge_index.shape[1]
    Np, Ep, CH = _pad_amounts(N, E)

    row = edge_index[0]
    col = edge_index[1]
    pad = Ep - E
    row3 = jnp.pad(row, (0, pad), constant_values=N).reshape(NW, CH, CHUNK)
    col3 = jnp.pad(col, (0, pad), constant_values=N).reshape(NW, CH, CHUNK)
    xp = jnp.pad(x, ((0, Np - N), (0, 0)))

    ones_h = jnp.ones((CHUNK,), jnp.float32)
    zeros1 = jnp.zeros((Np,), jnp.float32)
    zeros2 = jnp.zeros((Np, C), jnp.float32)

    degp = _sc_deg(col3, ones_h, zeros1, Np, CH)
    u0, dinv, dinv2 = _tc_prep(xp, W, degp)
    p = _sc_agg(u0, row3, col3, zeros2, Np, CH, C)
    u1 = _tc_combine(p, dinv2)
    q = _sc_agg(u1, row3, col3, zeros2, Np, CH, C)
    outp = _tc_combine(q, dinv)
    return outp[:N]

# --- scband reference (transcript-rebuilt; emitter-appended) ---
"""Pipeline reference for scband-sgc-new-40544491274370 (READ-ONLY COPY).

The authoritative reference and input builder live on the scoring server;
editing this copy changes nothing except your own understanding.
"""

import jax, jax.numpy as jnp
import numpy as np

N = 10000
E = 320000
D = 128
C = 64
K = 2


def setup_inputs(seed: int = 0) -> dict:
    key = jax.random.key(seed)
    k1, k2, k3 = jax.random.split(key, 3)
    x = jax.random.normal(k1, (N, D), dtype=jnp.float32)
    edge_index = jax.random.randint(k2, (2, E), 0, N, dtype=jnp.int32)
    # SGConv linear weight (bias=False): shape [num_classes, num_feats]
    W = jax.random.normal(k3, (C, D), dtype=jnp.float32) * 0.05
    return {"x": x, "edge_index": edge_index, "W": W}


def reference(x, edge_index, W):
    # SGC: K steps of symmetric-normalized propagation (add_self_loops=False),
    # then a single linear layer with no bias (lin_first=False, bn=False, eval-mode dropout).
    row = edge_index[0]
    col = edge_index[1]
    ew = jnp.ones((E,), dtype=jnp.float32)  # gnn_sample edge_weight ~ ones
    # gcn_norm without self loops: deg over destination (col)
    deg = jax.ops.segment_sum(ew, col, num_segments=N)
    dinv = jnp.where(deg > 0, 1.0 / jnp.sqrt(deg), 0.0)
    norm = dinv[row] * ew * dinv[col]
    h = x
    for _ in range(K):
        msg = norm[:, None] * h[row]          # gather on src nodes
        h = jax.ops.segment_sum(msg, col, num_segments=N)  # scatter-add on dst nodes
    out = h @ W.T
    return out

if __name__ == "__main__":
    import jax
    _d = setup_inputs()
    print(jax.jit(kernel)(*tuple(_d.values())))

</pallas_src>

<mosaic_0001>
#map = affine_map<(d0, d1) -> (0, 0, 0)>
#map1 = affine_map<(d0, d1) -> (0)>
#map2 = affine_map<(d0, d1) -> (0, 0)>
module attributes {stable_mosaic.version = 14 : i64} {
  func.func @k(%arg0: i32, %arg1: i32, %arg2: memref<32x80x128xi32, #tpu.memory_space<hbm>>, %arg3: memref<128xf32, #tpu.memory_space<hbm>>, %arg4: memref<10240xf32, #tpu.memory_space<hbm>>, %arg5: memref<2x10240xf32, #tpu.memory_space<hbm>>, %arg6: memref<80x128xi32, #tpu.memory_space<vmem>>, %arg7: memref<128xf32, #tpu.memory_space<vmem>>, %arg8: memref<10240xf32, #tpu.memory_space<vmem_shared>>) attributes {dimension_semantics = [#tpu.dimension_semantics<core_parallel>, #tpu.dimension_semantics<subcore_parallel>], iteration_bounds = array<i64: 2, 16>, scalar_prefetch = 0 : i64, scratch_operands = 3 : i64, tpu.core_type = #tpu.core_type<sc_vector_subcore>, window_params = [{transform_indices = #map}, {transform_indices = #map1}, {transform_indices = #map1}, {transform_indices = #map2}]} {
    %mul3A = arith.constant 16 : i32
    %mul3A_0 = arith.muli %arg0, %mul3A : i32
    %add3A = arith.addi %mul3A_0, %arg1 : i32
    %mul3A_1 = arith.constant 640 : i32
    %mul3A_2 = arith.muli %arg1, %mul3A_1 : i32
    "tpu.region"() ({
      %run_scoped3A = tpu.sem_alloc : memref<!tpu.dma_semaphore, #tpu.memory_space<semaphore_mem>>
      %dma_start3A = tpu.memref_slice %arg8[%mul3A_2] : memref<10240xf32, #tpu.memory_space<vmem_shared>> -> memref<640xf32, #tpu.memory_space<vmem_shared>>
      %dma_start3A_8 = tpu.memref_slice %arg4[%mul3A_2] : memref<10240xf32, #tpu.memory_space<hbm>> -> memref<640xf32, #tpu.memory_space<hbm>>
      tpu.enqueue_dma source(%dma_start3A_8 : memref<640xf32, #tpu.memory_space<hbm>>) target(%dma_start3A : memref<640xf32, #tpu.memory_space<vmem_shared>>) target_semaphore(%run_scoped3A : memref<!tpu.dma_semaphore, #tpu.memory_space<semaphore_mem>>)
      %dma_wait3A = tpu.memref_slice %arg8[%mul3A_2] : memref<10240xf32, #tpu.memory_space<vmem_shared>> -> memref<640xf32, #tpu.memory_space<vmem_shared>>
      %dma_wait3A_9 = tpu.memref_slice %arg4[%mul3A_2] : memref<10240xf32, #tpu.memory_space<hbm>> -> memref<640xf32, #tpu.memory_space<hbm>>
      tpu.wait_dma2 semaphore(%run_scoped3A : memref<!tpu.dma_semaphore, #tpu.memory_space<semaphore_mem>>) src(%dma_wait3A_9 : memref<640xf32, #tpu.memory_space<hbm>>) dst(%dma_wait3A : memref<640xf32, #tpu.memory_space<vmem_shared>>)
      tpu.yield
    }) : () -> ()
    "tpu.region"() ({
      %run_scoped3A = tpu.sem_alloc : memref<!tpu.dma_semaphore, #tpu.memory_space<semaphore_mem>>
      tpu.enqueue_dma source(%arg3 : memref<128xf32, #tpu.memory_space<hbm>>) target(%arg7 : memref<128xf32, #tpu.memory_space<vmem>>) target_semaphore(%run_scoped3A : memref<!tpu.dma_semaphore, #tpu.memory_space<semaphore_mem>>)
      tpu.wait_dma2 semaphore(%run_scoped3A : memref<!tpu.dma_semaphore, #tpu.memory_space<semaphore_mem>>) src(%arg3 : memref<128xf32, #tpu.memory_space<hbm>>) dst(%arg7 : memref<128xf32, #tpu.memory_space<vmem>>)
      tpu.yield
    }) : () -> ()
    "tpu.region"() ({
      %run_scoped3A = tpu.sem_alloc : memref<!tpu.dma_semaphore, #tpu.memory_space<semaphore_mem>>
      %dma_start3A = arith.constant 0 : i32
      %dma_start3A_8 = arith.constant 0 : i32
      %dma_start3A_9 = tpu.memref_slice %arg2[%add3A, %dma_start3A, %dma_start3A_8] : memref<32x80x128xi32, #tpu.memory_space<hbm>> -> memref<1x80x128xi32, #tpu.memory_space<hbm>>
      %dma_start3A_10 = tpu.memref_squeeze %dma_start3A_9 : memref<1x80x128xi32, #tpu.memory_space<hbm>> -> memref<80x128xi32, #tpu.memory_space<hbm>>
      %dma_start3A_11 = arith.constant 0 : i32
      %dma_start3A_12 = arith.constant 0 : i32
      %dma_start3A_13 = tpu.memref_slice %arg2[%add3A, %dma_start3A_11, %dma_start3A_12] : memref<32x80x128xi32, #tpu.memory_space<hbm>> -> memref<1x80x128xi32, #tpu.memory_space<hbm>>
      %dma_start3A_14 = tpu.memref_squeeze %dma_start3A_13 : memref<1x80x128xi32, #tpu.memory_space<hbm>> -> memref<80x128xi32, #tpu.memory_space<hbm>>
      tpu.enqueue_dma source(%dma_start3A_14 : memref<80x128xi32, #tpu.memory_space<hbm>>) target(%arg6 : memref<80x128xi32, #tpu.memory_space<vmem>>) target_semaphore(%run_scoped3A : memref<!tpu.dma_semaphore, #tpu.memory_space<semaphore_mem>>)
      %dma_wait3A = arith.constant 0 : i32
      %dma_wait3A_15 = arith.constant 0 : i32
      %dma_wait3A_16 = tpu.memref_slice %arg2[%add3A, %dma_wait3A, %dma_wait3A_15] : memref<32x80x128xi32, #tpu.memory_space<hbm>> -> memref<1x80x128xi32, #tpu.memory_space<hbm>>
      %dma_wait3A_17 = tpu.memref_squeeze %dma_wait3A_16 : memref<1x80x128xi32, #tpu.memory_space<hbm>> -> memref<80x128xi32, #tpu.memory_space<hbm>>
      %dma_wait3A_18 = arith.constant 0 : i32
      %dma_wait3A_19 = arith.constant 0 : i32
      %dma_wait3A_20 = tpu.memref_slice %arg2[%add3A, %dma_wait3A_18, %dma_wait3A_19] : memref<32x80x128xi32, #tpu.memory_space<hbm>> -> memref<1x80x128xi32, #tpu.memory_space<hbm>>
      %dma_wait3A_21 = tpu.memref_squeeze %dma_wait3A_20 : memref<1x80x128xi32, #tpu.memory_space<hbm>> -> memref<80x128xi32, #tpu.memory_space<hbm>>
      tpu.wait_dma2 semaphore(%run_scoped3A : memref<!tpu.dma_semaphore, #tpu.memory_space<semaphore_mem>>) src(%dma_wait3A_21 : memref<80x128xi32, #tpu.memory_space<hbm>>) dst(%arg6 : memref<80x128xi32, #tpu.memory_space<vmem>>)
      tpu.yield
    }) : () -> ()
    %barrier3A = arith.constant 0 : index
    tpu.barrier barrier_id(%barrier3A)
    %scan3A = arith.constant 0 : i32
    %scan3A_3 = arith.constant 80 : i32
    %scan3A_4 = arith.addi %scan3A, %scan3A_3 : i32
    %scan3A_5 = arith.constant 1 : i32
    scf.for %scan3A_8 = %scan3A to %scan3A_4 step %scan3A_5  : i32 {
      %mul3A_9 = arith.constant 1 : i32
      %mul3A_10 = arith.muli %scan3A_8, %mul3A_9 : i32
      %add3A_11 = arith.constant 0 : i32
      %add3A_12 = arith.addi %add3A_11, %mul3A_10 : i32
      "tpu.region"() ({
        %run_scoped3A = tpu.sem_alloc : memref<!tpu.dma_semaphore, #tpu.memory_space<semaphore_mem>>
        %dma_start3A = arith.constant 0 : i32
        %dma_start3A_13 = tpu.memref_slice %arg6[%add3A_12, %dma_start3A] : memref<80x128xi32, #tpu.memory_space<vmem>> -> memref<1x128xi32, #tpu.memory_space<vmem>>
        %dma_start3A_14 = tpu.memref_squeeze %dma_start3A_13 : memref<1x128xi32, #tpu.memory_space<vmem>> -> memref<128xi32, #tpu.memory_space<vmem>>
        %dma_start3A_15 = arith.constant 0 : i32
        %dma_start3A_16 = tpu.memref_slice %arg8[%dma_start3A_15] : memref<10240xf32, #tpu.memory_space<vmem_shared>> -> memref<10240xf32, #tpu.memory_space<vmem_shared>>
        tpu.enqueue_indirect_dma source(%arg7 : memref<128xf32, #tpu.memory_space<vmem>>) target(%dma_start3A_16 : memref<10240xf32, #tpu.memory_space<vmem_shared>>) offsets(%dma_start3A_14 : memref<128xi32, #tpu.memory_space<vmem>>) semaphore(%run_scoped3A : memref<!tpu.dma_semaphore, #tpu.memory_space<semaphore_mem>>) {add = true}
        %dma_wait3A = arith.constant 0 : i32
        %dma_wait3A_17 = tpu.memref_slice %arg6[%add3A_12, %dma_wait3A] : memref<80x128xi32, #tpu.memory_space<vmem>> -> memref<1x128xi32, #tpu.memory_space<vmem>>
        %dma_wait3A_18 = tpu.memref_squeeze %dma_wait3A_17 : memref<1x128xi32, #tpu.memory_space<vmem>> -> memref<128xi32, #tpu.memory_space<vmem>>
        %dma_wait3A_19 = arith.constant 0 : i32
        %dma_wait3A_20 = tpu.memref_slice %arg8[%dma_wait3A_19] : memref<10240xf32, #tpu.memory_space<vmem_shared>> -> memref<10240xf32, #tpu.memory_space<vmem_shared>>
        tpu.wait_indirect_dma semaphore(%run_scoped3A : memref<!tpu.dma_semaphore, #tpu.memory_space<semaphore_mem>>) src(%arg7 : memref<128xf32, #tpu.memory_space<vmem>>) dst(%dma_wait3A_20 : memref<10240xf32, #tpu.memory_space<vmem_shared>>)
        tpu.yield
      }) : () -> ()
    }
    %scan3A_6 = arith.constant 80 : i32
    %barrier3A_7 = arith.constant 0 : index
    tpu.barrier barrier_id(%barrier3A_7)
    "tpu.region"() ({
      %run_scoped3A = tpu.sem_alloc : memref<!tpu.dma_semaphore, #tpu.memory_space<semaphore_mem>>
      %dma_start3A = arith.constant 0 : i32
      %dma_start3A_8 = tpu.memref_slice %arg5[%arg0, %dma_start3A] : memref<2x10240xf32, #tpu.memory_space<hbm>> -> memref<1x10240xf32, #tpu.memory_space<hbm>>
      %dma_start3A_9 = tpu.memref_squeeze %dma_start3A_8 : memref<1x10240xf32, #tpu.memory_space<hbm>> -> memref<10240xf32, #tpu.memory_space<hbm>>
      %dma_start3A_10 = tpu.memref_slice %dma_start3A_9[%mul3A_2] : memref<10240xf32, #tpu.memory_space<hbm>> -> memref<640xf32, #tpu.memory_space<hbm>>
      %dma_start3A_11 = tpu.memref_slice %arg8[%mul3A_2] : memref<10240xf32, #tpu.memory_space<vmem_shared>> -> memref<640xf32, #tpu.memory_space<vmem_shared>>
      tpu.enqueue_dma source(%dma_start3A_11 : memref<640xf32, #tpu.memory_space<vmem_shared>>) target(%dma_start3A_10 : memref<640xf32, #tpu.memory_space<hbm>>) target_semaphore(%run_scoped3A : memref<!tpu.dma_semaphore, #tpu.memory_space<semaphore_mem>>)
      %dma_wait3A = arith.constant 0 : i32
      %dma_wait3A_12 = tpu.memref_slice %arg5[%arg0, %dma_wait3A] : memref<2x10240xf32, #tpu.memory_space<hbm>> -> memref<1x10240xf32, #tpu.memory_space<hbm>>
      %dma_wait3A_13 = tpu.memref_squeeze %dma_wait3A_12 : memref<1x10240xf32, #tpu.memory_space<hbm>> -> memref<10240xf32, #tpu.memory_space<hbm>>
      %dma_wait3A_14 = tpu.memref_slice %dma_wait3A_13[%mul3A_2] : memref<10240xf32, #tpu.memory_space<hbm>> -> memref<640xf32, #tpu.memory_space<hbm>>
      %dma_wait3A_15 = tpu.memref_slice %arg8[%mul3A_2] : memref<10240xf32, #tpu.memory_space<vmem_shared>> -> memref<640xf32, #tpu.memory_space<vmem_shared>>
      tpu.wait_dma2 semaphore(%run_scoped3A : memref<!tpu.dma_semaphore, #tpu.memory_space<semaphore_mem>>) src(%dma_wait3A_15 : memref<640xf32, #tpu.memory_space<vmem_shared>>) dst(%dma_wait3A_14 : memref<640xf32, #tpu.memory_space<hbm>>)
      tpu.yield
    }) : () -> ()
    return
  }
}

#map = affine_map<(d0, d1) -> (0, 0)>
#map1 = affine_map<(d0, d1) -> (0, 0, 0)>
module attributes {stable_mosaic.version = 14 : i64} {
  func.func @k(%arg0: i32, %arg1: i32, %arg2: memref<10240x64xf32, #tpu.memory_space<hbm>>, %arg3: memref<32x80x128xi32, #tpu.memory_space<hbm>>, %arg4: memref<32x80x128xi32, #tpu.memory_space<hbm>>, %arg5: memref<10240x64xf32, #tpu.memory_space<hbm>>, %arg6: memref<2x10240x64xf32, #tpu.memory_space<hbm>>, %arg7: memref<80x128xi32, #tpu.memory_space<vmem>>, %arg8: memref<80x128xi32, #tpu.memory_space<vmem>>, %arg9: memref<128x64xf32, #tpu.memory_space<vmem>>, %arg10: memref<10240x64xf32, #tpu.memory_space<vmem_shared>>, %arg11: memref<!tpu.dma_semaphore, #tpu.memory_space<semaphore_mem>>) attributes {dimension_semantics = [#tpu.dimension_semantics<core_parallel>, #tpu.dimension_semantics<subcore_parallel>], iteration_bounds = array<i64: 2, 16>, scalar_prefetch = 0 : i64, scratch_operands = 5 : i64, tpu.core_type = #tpu.core_type<sc_vector_subcore>, window_params = [{transform_indices = #map}, {transform_indices = #map1}, {transform_indices = #map1}, {transform_indices = #map}, {transform_indices = #map1}]} {
    %mul3A = arith.constant 16 : i32
    %mul3A_0 = arith.muli %arg0, %mul3A : i32
    %add3A = arith.addi %mul3A_0, %arg1 : i32
    %mul3A_1 = arith.constant 640 : i32
    %mul3A_2 = arith.muli %arg1, %mul3A_1 : i32
    "tpu.region"() ({
      %run_scoped3A = tpu.sem_alloc : memref<!tpu.dma_semaphore, #tpu.memory_space<semaphore_mem>>
      %dma_start3A = arith.constant 0 : i32
      %dma_start3A_8 = tpu.memref_slice %arg10[%mul3A_2, %dma_start3A] : memref<10240x64xf32, #tpu.memory_space<vmem_shared>> -> memref<640x64xf32, #tpu.memory_space<vmem_shared>>
      %dma_start3A_9 = arith.constant 0 : i32
      %dma_start3A_10 = tpu.memref_slice %arg5[%mul3A_2, %dma_start3A_9] : memref<10240x64xf32, #tpu.memory_space<hbm>> -> memref<640x64xf32, #tpu.memory_space<hbm>>
      tpu.enqueue_dma source(%dma_start3A_10 : memref<640x64xf32, #tpu.memory_space<hbm>>) target(%dma_start3A_8 : memref<640x64xf32, #tpu.memory_space<vmem_shared>>) target_semaphore(%run_scoped3A : memref<!tpu.dma_semaphore, #tpu.memory_space<semaphore_mem>>)
      %dma_wait3A = arith.constant 0 : i32
      %dma_wait3A_11 = tpu.memref_slice %arg10[%mul3A_2, %dma_wait3A] : memref<10240x64xf32, #tpu.memory_space<vmem_shared>> -> memref<640x64xf32, #tpu.memory_space<vmem_shared>>
      %dma_wait3A_12 = arith.constant 0 : i32
      %dma_wait3A_13 = tpu.memref_slice %arg5[%mul3A_2, %dma_wait3A_12] : memref<10240x64xf32, #tpu.memory_space<hbm>> -> memref<640x64xf32, #tpu.memory_space<hbm>>
      tpu.wait_dma2 semaphore(%run_scoped3A : memref<!tpu.dma_semaphore, #tpu.memory_space<semaphore_mem>>) src(%dma_wait3A_13 : memref<640x64xf32, #tpu.memory_space<hbm>>) dst(%dma_wait3A_11 : memref<640x64xf32, #tpu.memory_space<vmem_shared>>)
      tpu.yield
    }) : () -> ()
    "tpu.region"() ({
      %run_scoped3A = tpu.sem_alloc : memref<!tpu.dma_semaphore, #tpu.memory_space<semaphore_mem>>
      %dma_start3A = arith.constant 0 : i32
      %dma_start3A_8 = arith.constant 0 : i32
      %dma_start3A_9 = tpu.memref_slice %arg3[%add3A, %dma_start3A, %dma_start3A_8] : memref<32x80x128xi32, #tpu.memory_space<hbm>> -> memref<1x80x128xi32, #tpu.memory_space<hbm>>
      %dma_start3A_10 = tpu.memref_squeeze %dma_start3A_9 : memref<1x80x128xi32, #tpu.memory_space<hbm>> -> memref<80x128xi32, #tpu.memory_space<hbm>>
      %dma_start3A_11 = arith.constant 0 : i32
      %dma_start3A_12 = arith.constant 0 : i32
      %dma_start3A_13 = tpu.memref_slice %arg3[%add3A, %dma_start3A_11, %dma_start3A_12] : memref<32x80x128xi32, #tpu.memory_space<hbm>> -> memref<1x80x128xi32, #tpu.memory_space<hbm>>
      %dma_start3A_14 = tpu.memref_squeeze %dma_start3A_13 : memref<1x80x128xi32, #tpu.memory_space<hbm>> -> memref<80x128xi32, #tpu.memory_space<hbm>>
      tpu.enqueue_dma source(%dma_start3A_14 : memref<80x128xi32, #tpu.memory_space<hbm>>) target(%arg7 : memref<80x128xi32, #tpu.memory_space<vmem>>) target_semaphore(%run_scoped3A : memref<!tpu.dma_semaphore, #tpu.memory_space<semaphore_mem>>)
      %dma_wait3A = arith.constant 0 : i32
      %dma_wait3A_15 = arith.constant 0 : i32
      %dma_wait3A_16 = tpu.memref_slice %arg3[%add3A, %dma_wait3A, %dma_wait3A_15] : memref<32x80x128xi32, #tpu.memory_space<hbm>> -> memref<1x80x128xi32, #tpu.memory_space<hbm>>
      %dma_wait3A_17 = tpu.memref_squeeze %dma_wait3A_16 : memref<1x80x128xi32, #tpu.memory_space<hbm>> -> memref<80x128xi32, #tpu.memory_space<hbm>>
      %dma_wait3A_18 = arith.constant 0 : i32
      %dma_wait3A_19 = arith.constant 0 : i32
      %dma_wait3A_20 = tpu.memref_slice %arg3[%add3A, %dma_wait3A_18, %dma_wait3A_19] : memref<32x80x128xi32, #tpu.memory_space<hbm>> -> memref<1x80x128xi32, #tpu.memory_space<hbm>>
      %dma_wait3A_21 = tpu.memref_squeeze %dma_wait3A_20 : memref<1x80x128xi32, #tpu.memory_space<hbm>> -> memref<80x128xi32, #tpu.memory_space<hbm>>
      tpu.wait_dma2 semaphore(%run_scoped3A : memref<!tpu.dma_semaphore, #tpu.memory_space<semaphore_mem>>) src(%dma_wait3A_21 : memref<80x128xi32, #tpu.memory_space<hbm>>) dst(%arg7 : memref<80x128xi32, #tpu.memory_space<vmem>>)
      tpu.yield
    }) : () -> ()
    "tpu.region"() ({
      %run_scoped3A = tpu.sem_alloc : memref<!tpu.dma_semaphore, #tpu.memory_space<semaphore_mem>>
      %dma_start3A = arith.constant 0 : i32
      %dma_start3A_8 = arith.constant 0 : i32
      %dma_start3A_9 = tpu.memref_slice %arg4[%add3A, %dma_start3A, %dma_start3A_8] : memref<32x80x128xi32, #tpu.memory_space<hbm>> -> memref<1x80x128xi32, #tpu.memory_space<hbm>>
      %dma_start3A_10 = tpu.memref_squeeze %dma_start3A_9 : memref<1x80x128xi32, #tpu.memory_space<hbm>> -> memref<80x128xi32, #tpu.memory_space<hbm>>
      %dma_start3A_11 = arith.constant 0 : i32
      %dma_start3A_12 = arith.constant 0 : i32
      %dma_start3A_13 = tpu.memref_slice %arg4[%add3A, %dma_start3A_11, %dma_start3A_12] : memref<32x80x128xi32, #tpu.memory_space<hbm>> -> memref<1x80x128xi32, #tpu.memory_space<hbm>>
      %dma_start3A_14 = tpu.memref_squeeze %dma_start3A_13 : memref<1x80x128xi32, #tpu.memory_space<hbm>> -> memref<80x128xi32, #tpu.memory_space<hbm>>
      tpu.enqueue_dma source(%dma_start3A_14 : memref<80x128xi32, #tpu.memory_space<hbm>>) target(%arg8 : memref<80x128xi32, #tpu.memory_space<vmem>>) target_semaphore(%run_scoped3A : memref<!tpu.dma_semaphore, #tpu.memory_space<semaphore_mem>>)
      %dma_wait3A = arith.constant 0 : i32
      %dma_wait3A_15 = arith.constant 0 : i32
      %dma_wait3A_16 = tpu.memref_slice %arg4[%add3A, %dma_wait3A, %dma_wait3A_15] : memref<32x80x128xi32, #tpu.memory_space<hbm>> -> memref<1x80x128xi32, #tpu.memory_space<hbm>>
      %dma_wait3A_17 = tpu.memref_squeeze %dma_wait3A_16 : memref<1x80x128xi32, #tpu.memory_space<hbm>> -> memref<80x128xi32, #tpu.memory_space<hbm>>
      %dma_wait3A_18 = arith.constant 0 : i32
      %dma_wait3A_19 = arith.constant 0 : i32
      %dma_wait3A_20 = tpu.memref_slice %arg4[%add3A, %dma_wait3A_18, %dma_wait3A_19] : memref<32x80x128xi32, #tpu.memory_space<hbm>> -> memref<1x80x128xi32, #tpu.memory_space<hbm>>
      %dma_wait3A_21 = tpu.memref_squeeze %dma_wait3A_20 : memref<1x80x128xi32, #tpu.memory_space<hbm>> -> memref<80x128xi32, #tpu.memory_space<hbm>>
      tpu.wait_dma2 semaphore(%run_scoped3A : memref<!tpu.dma_semaphore, #tpu.memory_space<semaphore_mem>>) src(%dma_wait3A_21 : memref<80x128xi32, #tpu.memory_space<hbm>>) dst(%arg8 : memref<80x128xi32, #tpu.memory_space<vmem>>)
      tpu.yield
    }) : () -> ()
    %barrier3A = arith.constant 0 : index
    tpu.barrier barrier_id(%barrier3A)
    %scan3A = arith.constant 0 : i32
    %scan3A_3 = arith.constant 80 : i32
    %scan3A_4 = arith.addi %scan3A, %scan3A_3 : i32
    %scan3A_5 = arith.constant 1 : i32
    scf.for %scan3A_8 = %scan3A to %scan3A_4 step %scan3A_5  : i32 {
      %mul3A_9 = arith.constant 1 : i32
      %mul3A_10 = arith.muli %scan3A_8, %mul3A_9 : i32
      %add3A_11 = arith.constant 0 : i32
      %add3A_12 = arith.addi %add3A_11, %mul3A_10 : i32
      %dma_start3A = arith.constant 0 : i32
      %dma_start3A_13 = tpu.memref_slice %arg7[%add3A_12, %dma_start3A] : memref<80x128xi32, #tpu.memory_space<vmem>> -> memref<1x128xi32, #tpu.memory_space<vmem>>
      %dma_start3A_14 = tpu.memref_squeeze %dma_start3A_13 : memref<1x128xi32, #tpu.memory_space<vmem>> -> memref<128xi32, #tpu.memory_space<vmem>>
      %dma_start3A_15 = arith.constant 0 : i32
      %dma_start3A_16 = arith.constant 0 : i32
      %dma_start3A_17 = tpu.memref_slice %arg2[%dma_start3A_15, %dma_start3A_16] : memref<10240x64xf32, #tpu.memory_space<hbm>> -> memref<10240x64xf32, #tpu.memory_space<hbm>>
      tpu.enqueue_indirect_dma source(%dma_start3A_17 : memref<10240x64xf32, #tpu.memory_space<hbm>>) target(%arg9 : memref<128x64xf32, #tpu.memory_space<vmem>>) offsets(%dma_start3A_14 : memref<128xi32, #tpu.memory_space<vmem>>) semaphore(%arg11 : memref<!tpu.dma_semaphore, #tpu.memory_space<semaphore_mem>>)
      %dma_wait3A = arith.constant 0 : i32
      %dma_wait3A_18 = tpu.memref_slice %arg7[%add3A_12, %dma_wait3A] : memref<80x128xi32, #tpu.memory_space<vmem>> -> memref<1x128xi32, #tpu.memory_space<vmem>>
      %dma_wait3A_19 = tpu.memref_squeeze %dma_wait3A_18 : memref<1x128xi32, #tpu.memory_space<vmem>> -> memref<128xi32, #tpu.memory_space<vmem>>
      %dma_wait3A_20 = arith.constant 0 : i32
      %dma_wait3A_21 = arith.constant 0 : i32
      %dma_wait3A_22 = tpu.memref_slice %arg2[%dma_wait3A_20, %dma_wait3A_21] : memref<10240x64xf32, #tpu.memory_space<hbm>> -> memref<10240x64xf32, #tpu.memory_space<hbm>>
      tpu.wait_indirect_dma semaphore(%arg11 : memref<!tpu.dma_semaphore, #tpu.memory_space<semaphore_mem>>) src(%dma_wait3A_22 : memref<10240x64xf32, #tpu.memory_space<hbm>>) dst(%arg9 : memref<128x64xf32, #tpu.memory_space<vmem>>)
      "tpu.region"() ({
        %run_scoped3A = tpu.sem_alloc : memref<!tpu.dma_semaphore, #tpu.memory_space<semaphore_mem>>
        %dma_start3A_23 = arith.constant 0 : i32
        %dma_start3A_24 = tpu.memref_slice %arg8[%add3A_12, %dma_start3A_23] : memref<80x128xi32, #tpu.memory_space<vmem>> -> memref<1x128xi32, #tpu.memory_space<vmem>>
        %dma_start3A_25 = tpu.memref_squeeze %dma_start3A_24 : memref<1x128xi32, #tpu.memory_space<vmem>> -> memref<128xi32, #tpu.memory_space<vmem>>
        %dma_start3A_26 = arith.constant 0 : i32
        %dma_start3A_27 = arith.constant 0 : i32
        %dma_start3A_28 = tpu.memref_slice %arg10[%dma_start3A_26, %dma_start3A_27] : memref<10240x64xf32, #tpu.memory_space<vmem_shared>> -> memref<10240x64xf32, #tpu.memory_space<vmem_shared>>
        tpu.enqueue_indirect_dma source(%arg9 : memref<128x64xf32, #tpu.memory_space<vmem>>) target(%dma_start3A_28 : memref<10240x64xf32, #tpu.memory_space<vmem_shared>>) offsets(%dma_start3A_25 : memref<128xi32, #tpu.memory_space<vmem>>) semaphore(%run_scoped3A : memref<!tpu.dma_semaphore, #tpu.memory_space<semaphore_mem>>) {add = true}
        %dma_wait3A_29 = arith.constant 0 : i32
        %dma_wait3A_30 = tpu.memref_slice %arg8[%add3A_12, %dma_wait3A_29] : memref<80x128xi32, #tpu.memory_space<vmem>> -> memref<1x128xi32, #tpu.memory_space<vmem>>
        %dma_wait3A_31 = tpu.memref_squeeze %dma_wait3A_30 : memref<1x128xi32, #tpu.memory_space<vmem>> -> memref<128xi32, #tpu.memory_space<vmem>>
        %dma_wait3A_32 = arith.constant 0 : i32
        %dma_wait3A_33 = arith.constant 0 : i32
        %dma_wait3A_34 = tpu.memref_slice %arg10[%dma_wait3A_32, %dma_wait3A_33] : memref<10240x64xf32, #tpu.memory_space<vmem_shared>> -> memref<10240x64xf32, #tpu.memory_space<vmem_shared>>
        tpu.wait_indirect_dma semaphore(%run_scoped3A : memref<!tpu.dma_semaphore, #tpu.memory_space<semaphore_mem>>) src(%arg9 : memref<128x64xf32, #tpu.memory_space<vmem>>) dst(%dma_wait3A_34 : memref<10240x64xf32, #tpu.memory_space<vmem_shared>>)
        tpu.yield
      }) : () -> ()
    }
    %scan3A_6 = arith.constant 80 : i32
    %barrier3A_7 = arith.constant 0 : index
    tpu.barrier barrier_id(%barrier3A_7)
    "tpu.region"() ({
      %run_scoped3A = tpu.sem_alloc : memref<!tpu.dma_semaphore, #tpu.memory_space<semaphore_mem>>
      %dma_start3A = arith.constant 0 : i32
      %dma_start3A_8 = arith.constant 0 : i32
      %dma_start3A_9 = tpu.memref_slice %arg6[%arg0, %dma_start3A, %dma_start3A_8] : memref<2x10240x64xf32, #tpu.memory_space<hbm>> -> memref<1x10240x64xf32, #tpu.memory_space<hbm>>
      %dma_start3A_10 = tpu.memref_squeeze %dma_start3A_9 : memref<1x10240x64xf32, #tpu.memory_space<hbm>> -> memref<10240x64xf32, #tpu.memory_space<hbm>>
      %dma_start3A_11 = arith.constant 0 : i32
      %dma_start3A_12 = tpu.memref_slice %dma_start3A_10[%mul3A_2, %dma_start3A_11] : memref<10240x64xf32, #tpu.memory_space<hbm>> -> memref<640x64xf32, #tpu.memory_space<hbm>>
      %dma_start3A_13 = arith.constant 0 : i32
      %dma_start3A_14 = tpu.memref_slice %arg10[%mul3A_2, %dma_start3A_13] : memref<10240x64xf32, #tpu.memory_space<vmem_shared>> -> memref<640x64xf32, #tpu.memory_space<vmem_shared>>
      tpu.enqueue_dma source(%dma_start3A_14 : memref<640x64xf32, #tpu.memory_space<vmem_shared>>) target(%dma_start3A_12 : memref<640x64xf32, #tpu.memory_space<hbm>>) target_semaphore(%run_scoped3A : memref<!tpu.dma_semaphore, #tpu.memory_space<semaphore_mem>>)
      %dma_wait3A = arith.constant 0 : i32
      %dma_wait3A_15 = arith.constant 0 : i32
      %dma_wait3A_16 = tpu.memref_slice %arg6[%arg0, %dma_wait3A, %dma_wait3A_15] : memref<2x10240x64xf32, #tpu.memory_space<hbm>> -> memref<1x10240x64xf32, #tpu.memory_space<hbm>>
      %dma_wait3A_17 = tpu.memref_squeeze %dma_wait3A_16 : memref<1x10240x64xf32, #tpu.memory_space<hbm>> -> memref<10240x64xf32, #tpu.memory_space<hbm>>
      %dma_wait3A_18 = arith.constant 0 : i32
      %dma_wait3A_19 = tpu.memref_slice %dma_wait3A_17[%mul3A_2, %dma_wait3A_18] : memref<10240x64xf32, #tpu.memory_space<hbm>> -> memref<640x64xf32, #tpu.memory_space<hbm>>
      %dma_wait3A_20 = arith.constant 0 : i32
      %dma_wait3A_21 = tpu.memref_slice %arg10[%mul3A_2, %dma_wait3A_20] : memref<10240x64xf32, #tpu.memory_space<vmem_shared>> -> memref<640x64xf32, #tpu.memory_space<vmem_shared>>
      tpu.wait_dma2 semaphore(%run_scoped3A : memref<!tpu.dma_semaphore, #tpu.memory_space<semaphore_mem>>) src(%dma_wait3A_21 : memref<640x64xf32, #tpu.memory_space<vmem_shared>>) dst(%dma_wait3A_19 : memref<640x64xf32, #tpu.memory_space<hbm>>)
      tpu.yield
    }) : () -> ()
    return
  }
}

#map = affine_map<(d0, d1) -> (0, 0)>
#map1 = affine_map<(d0, d1) -> (0, 0, 0)>
module attributes {stable_mosaic.version = 14 : i64} {
  func.func @k(%arg0: i32, %arg1: i32, %arg2: memref<10240x64xf32, #tpu.memory_space<hbm>>, %arg3: memref<32x80x128xi32, #tpu.memory_space<hbm>>, %arg4: memref<32x80x128xi32, #tpu.memory_space<hbm>>, %arg5: memref<10240x64xf32, #tpu.memory_space<hbm>>, %arg6: memref<2x10240x64xf32, #tpu.memory_space<hbm>>, %arg7: memref<80x128xi32, #tpu.memory_space<vmem>>, %arg8: memref<80x128xi32, #tpu.memory_space<vmem>>, %arg9: memref<128x64xf32, #tpu.memory_space<vmem>>, %arg10: memref<10240x64xf32, #tpu.memory_space<vmem_shared>>, %arg11: memref<!tpu.dma_semaphore, #tpu.memory_space<semaphore_mem>>) attributes {dimension_semantics = [#tpu.dimension_semantics<core_parallel>, #tpu.dimension_semantics<subcore_parallel>], iteration_bounds = array<i64: 2, 16>, scalar_prefetch = 0 : i64, scratch_operands = 5 : i64, tpu.core_type = #tpu.core_type<sc_vector_subcore>, window_params = [{transform_indices = #map}, {transform_indices = #map1}, {transform_indices = #map1}, {transform_indices = #map}, {transform_indices = #map1}]} {
    %mul3A = arith.constant 16 : i32
    %mul3A_0 = arith.muli %arg0, %mul3A : i32
    %add3A = arith.addi %mul3A_0, %arg1 : i32
    %mul3A_1 = arith.constant 640 : i32
    %mul3A_2 = arith.muli %arg1, %mul3A_1 : i32
    "tpu.region"() ({
      %run_scoped3A = tpu.sem_alloc : memref<!tpu.dma_semaphore, #tpu.memory_space<semaphore_mem>>
      %dma_start3A = arith.constant 0 : i32
      %dma_start3A_8 = tpu.memref_slice %arg10[%mul3A_2, %dma_start3A] : memref<10240x64xf32, #tpu.memory_space<vmem_shared>> -> memref<640x64xf32, #tpu.memory_space<vmem_shared>>
      %dma_start3A_9 = arith.constant 0 : i32
      %dma_start3A_10 = tpu.memref_slice %arg5[%mul3A_2, %dma_start3A_9] : memref<10240x64xf32, #tpu.memory_space<hbm>> -> memref<640x64xf32, #tpu.memory_space<hbm>>
      tpu.enqueue_dma source(%dma_start3A_10 : memref<640x64xf32, #tpu.memory_space<hbm>>) target(%dma_start3A_8 : memref<640x64xf32, #tpu.memory_space<vmem_shared>>) target_semaphore(%run_scoped3A : memref<!tpu.dma_semaphore, #tpu.memory_space<semaphore_mem>>)
      %dma_wait3A = arith.constant 0 : i32
      %dma_wait3A_11 = tpu.memref_slice %arg10[%mul3A_2, %dma_wait3A] : memref<10240x64xf32, #tpu.memory_space<vmem_shared>> -> memref<640x64xf32, #tpu.memory_space<vmem_shared>>
      %dma_wait3A_12 = arith.constant 0 : i32
      %dma_wait3A_13 = tpu.memref_slice %arg5[%mul3A_2, %dma_wait3A_12] : memref<10240x64xf32, #tpu.memory_space<hbm>> -> memref<640x64xf32, #tpu.memory_space<hbm>>
      tpu.wait_dma2 semaphore(%run_scoped3A : memref<!tpu.dma_semaphore, #tpu.memory_space<semaphore_mem>>) src(%dma_wait3A_13 : memref<640x64xf32, #tpu.memory_space<hbm>>) dst(%dma_wait3A_11 : memref<640x64xf32, #tpu.memory_space<vmem_shared>>)
      tpu.yield
    }) : () -> ()
    "tpu.region"() ({
      %run_scoped3A = tpu.sem_alloc : memref<!tpu.dma_semaphore, #tpu.memory_space<semaphore_mem>>
      %dma_start3A = arith.constant 0 : i32
      %dma_start3A_8 = arith.constant 0 : i32
      %dma_start3A_9 = tpu.memref_slice %arg3[%add3A, %dma_start3A, %dma_start3A_8] : memref<32x80x128xi32, #tpu.memory_space<hbm>> -> memref<1x80x128xi32, #tpu.memory_space<hbm>>
      %dma_start3A_10 = tpu.memref_squeeze %dma_start3A_9 : memref<1x80x128xi32, #tpu.memory_space<hbm>> -> memref<80x128xi32, #tpu.memory_space<hbm>>
      %dma_start3A_11 = arith.constant 0 : i32
      %dma_start3A_12 = arith.constant 0 : i32
      %dma_start3A_13 = tpu.memref_slice %arg3[%add3A, %dma_start3A_11, %dma_start3A_12] : memref<32x80x128xi32, #tpu.memory_space<hbm>> -> memref<1x80x128xi32, #tpu.memory_space<hbm>>
      %dma_start3A_14 = tpu.memref_squeeze %dma_start3A_13 : memref<1x80x128xi32, #tpu.memory_space<hbm>> -> memref<80x128xi32, #tpu.memory_space<hbm>>
      tpu.enqueue_dma source(%dma_start3A_14 : memref<80x128xi32, #tpu.memory_space<hbm>>) target(%arg7 : memref<80x128xi32, #tpu.memory_space<vmem>>) target_semaphore(%run_scoped3A : memref<!tpu.dma_semaphore, #tpu.memory_space<semaphore_mem>>)
      %dma_wait3A = arith.constant 0 : i32
      %dma_wait3A_15 = arith.constant 0 : i32
      %dma_wait3A_16 = tpu.memref_slice %arg3[%add3A, %dma_wait3A, %dma_wait3A_15] : memref<32x80x128xi32, #tpu.memory_space<hbm>> -> memref<1x80x128xi32, #tpu.memory_space<hbm>>
      %dma_wait3A_17 = tpu.memref_squeeze %dma_wait3A_16 : memref<1x80x128xi32, #tpu.memory_space<hbm>> -> memref<80x128xi32, #tpu.memory_space<hbm>>
      %dma_wait3A_18 = arith.constant 0 : i32
      %dma_wait3A_19 = arith.constant 0 : i32
      %dma_wait3A_20 = tpu.memref_slice %arg3[%add3A, %dma_wait3A_18, %dma_wait3A_19] : memref<32x80x128xi32, #tpu.memory_space<hbm>> -> memref<1x80x128xi32, #tpu.memory_space<hbm>>
      %dma_wait3A_21 = tpu.memref_squeeze %dma_wait3A_20 : memref<1x80x128xi32, #tpu.memory_space<hbm>> -> memref<80x128xi32, #tpu.memory_space<hbm>>
      tpu.wait_dma2 semaphore(%run_scoped3A : memref<!tpu.dma_semaphore, #tpu.memory_space<semaphore_mem>>) src(%dma_wait3A_21 : memref<80x128xi32, #tpu.memory_space<hbm>>) dst(%arg7 : memref<80x128xi32, #tpu.memory_space<vmem>>)
      tpu.yield
    }) : () -> ()
    "tpu.region"() ({
      %run_scoped3A = tpu.sem_alloc : memref<!tpu.dma_semaphore, #tpu.memory_space<semaphore_mem>>
      %dma_start3A = arith.constant 0 : i32
      %dma_start3A_8 = arith.constant 0 : i32
      %dma_start3A_9 = tpu.memref_slice %arg4[%add3A, %dma_start3A, %dma_start3A_8] : memref<32x80x128xi32, #tpu.memory_space<hbm>> -> memref<1x80x128xi32, #tpu.memory_space<hbm>>
      %dma_start3A_10 = tpu.memref_squeeze %dma_start3A_9 : memref<1x80x128xi32, #tpu.memory_space<hbm>> -> memref<80x128xi32, #tpu.memory_space<hbm>>
      %dma_start3A_11 = arith.constant 0 : i32
      %dma_start3A_12 = arith.constant 0 : i32
      %dma_start3A_13 = tpu.memref_slice %arg4[%add3A, %dma_start3A_11, %dma_start3A_12] : memref<32x80x128xi32, #tpu.memory_space<hbm>> -> memref<1x80x128xi32, #tpu.memory_space<hbm>>
      %dma_start3A_14 = tpu.memref_squeeze %dma_start3A_13 : memref<1x80x128xi32, #tpu.memory_space<hbm>> -> memref<80x128xi32, #tpu.memory_space<hbm>>
      tpu.enqueue_dma source(%dma_start3A_14 : memref<80x128xi32, #tpu.memory_space<hbm>>) target(%arg8 : memref<80x128xi32, #tpu.memory_space<vmem>>) target_semaphore(%run_scoped3A : memref<!tpu.dma_semaphore, #tpu.memory_space<semaphore_mem>>)
      %dma_wait3A = arith.constant 0 : i32
      %dma_wait3A_15 = arith.constant 0 : i32
      %dma_wait3A_16 = tpu.memref_slice %arg4[%add3A, %dma_wait3A, %dma_wait3A_15] : memref<32x80x128xi32, #tpu.memory_space<hbm>> -> memref<1x80x128xi32, #tpu.memory_space<hbm>>
      %dma_wait3A_17 = tpu.memref_squeeze %dma_wait3A_16 : memref<1x80x128xi32, #tpu.memory_space<hbm>> -> memref<80x128xi32, #tpu.memory_space<hbm>>
      %dma_wait3A_18 = arith.constant 0 : i32
      %dma_wait3A_19 = arith.constant 0 : i32
      %dma_wait3A_20 = tpu.memref_slice %arg4[%add3A, %dma_wait3A_18, %dma_wait3A_19] : memref<32x80x128xi32, #tpu.memory_space<hbm>> -> memref<1x80x128xi32, #tpu.memory_space<hbm>>
      %dma_wait3A_21 = tpu.memref_squeeze %dma_wait3A_20 : memref<1x80x128xi32, #tpu.memory_space<hbm>> -> memref<80x128xi32, #tpu.memory_space<hbm>>
      tpu.wait_dma2 semaphore(%run_scoped3A : memref<!tpu.dma_semaphore, #tpu.memory_space<semaphore_mem>>) src(%dma_wait3A_21 : memref<80x128xi32, #tpu.memory_space<hbm>>) dst(%arg8 : memref<80x128xi32, #tpu.memory_space<vmem>>)
      tpu.yield
    }) : () -> ()
    %barrier3A = arith.constant 0 : index
    tpu.barrier barrier_id(%barrier3A)
    %scan3A = arith.constant 0 : i32
    %scan3A_3 = arith.constant 80 : i32
    %scan3A_4 = arith.addi %scan3A, %scan3A_3 : i32
    %scan3A_5 = arith.constant 1 : i32
    scf.for %scan3A_8 = %scan3A to %scan3A_4 step %scan3A_5  : i32 {
      %mul3A_9 = arith.constant 1 : i32
      %mul3A_10 = arith.muli %scan3A_8, %mul3A_9 : i32
      %add3A_11 = arith.constant 0 : i32
      %add3A_12 = arith.addi %add3A_11, %mul3A_10 : i32
      %dma_start3A = arith.constant 0 : i32
      %dma_start3A_13 = tpu.memref_slice %arg7[%add3A_12, %dma_start3A] : memref<80x128xi32, #tpu.memory_space<vmem>> -> memref<1x128xi32, #tpu.memory_space<vmem>>
      %dma_start3A_14 = tpu.memref_squeeze %dma_start3A_13 : memref<1x128xi32, #tpu.memory_space<vmem>> -> memref<128xi32, #tpu.memory_space<vmem>>
      %dma_start3A_15 = arith.constant 0 : i32
      %dma_start3A_16 = arith.constant 0 : i32
      %dma_start3A_17 = tpu.memref_slice %arg2[%dma_start3A_15, %dma_start3A_16] : memref<10240x64xf32, #tpu.memory_space<hbm>> -> memref<10240x64xf32, #tpu.memory_space<hbm>>
      tpu.enqueue_indirect_dma source(%dma_start3A_17 : memref<10240x64xf32, #tpu.memory_space<hbm>>) target(%arg9 : memref<128x64xf32, #tpu.memory_space<vmem>>) offsets(%dma_start3A_14 : memref<128xi32, #tpu.memory_space<vmem>>) semaphore(%arg11 : memref<!tpu.dma_semaphore, #tpu.memory_space<semaphore_mem>>)
      %dma_wait3A = arith.constant 0 : i32
      %dma_wait3A_18 = tpu.memref_slice %arg7[%add3A_12, %dma_wait3A] : memref<80x128xi32, #tpu.memory_space<vmem>> -> memref<1x128xi32, #tpu.memory_space<vmem>>
      %dma_wait3A_19 = tpu.memref_squeeze %dma_wait3A_18 : memref<1x128xi32, #tpu.memory_space<vmem>> -> memref<128xi32, #tpu.memory_space<vmem>>
      %dma_wait3A_20 = arith.constant 0 : i32
      %dma_wait3A_21 = arith.constant 0 : i32
      %dma_wait3A_22 = tpu.memref_slice %arg2[%dma_wait3A_20, %dma_wait3A_21] : memref<10240x64xf32, #tpu.memory_space<hbm>> -> memref<10240x64xf32, #tpu.memory_space<hbm>>
      tpu.wait_indirect_dma semaphore(%arg11 : memref<!tpu.dma_semaphore, #tpu.memory_space<semaphore_mem>>) src(%dma_wait3A_22 : memref<10240x64xf32, #tpu.memory_space<hbm>>) dst(%arg9 : memref<128x64xf32, #tpu.memory_space<vmem>>)
      "tpu.region"() ({
        %run_scoped3A = tpu.sem_alloc : memref<!tpu.dma_semaphore, #tpu.memory_space<semaphore_mem>>
        %dma_start3A_23 = arith.constant 0 : i32
        %dma_start3A_24 = tpu.memref_slice %arg8[%add3A_12, %dma_start3A_23] : memref<80x128xi32, #tpu.memory_space<vmem>> -> memref<1x128xi32, #tpu.memory_space<vmem>>
        %dma_start3A_25 = tpu.memref_squeeze %dma_start3A_24 : memref<1x128xi32, #tpu.memory_space<vmem>> -> memref<128xi32, #tpu.memory_space<vmem>>
        %dma_start3A_26 = arith.constant 0 : i32
        %dma_start3A_27 = arith.constant 0 : i32
        %dma_start3A_28 = tpu.memref_slice %arg10[%dma_start3A_26, %dma_start3A_27] : memref<10240x64xf32, #tpu.memory_space<vmem_shared>> -> memref<10240x64xf32, #tpu.memory_space<vmem_shared>>
        tpu.enqueue_indirect_dma source(%arg9 : memref<128x64xf32, #tpu.memory_space<vmem>>) target(%dma_start3A_28 : memref<10240x64xf32, #tpu.memory_space<vmem_shared>>) offsets(%dma_start3A_25 : memref<128xi32, #tpu.memory_space<vmem>>) semaphore(%run_scoped3A : memref<!tpu.dma_semaphore, #tpu.memory_space<semaphore_mem>>) {add = true}
        %dma_wait3A_29 = arith.constant 0 : i32
        %dma_wait3A_30 = tpu.memref_slice %arg8[%add3A_12, %dma_wait3A_29] : memref<80x128xi32, #tpu.memory_space<vmem>> -> memref<1x128xi32, #tpu.memory_space<vmem>>
        %dma_wait3A_31 = tpu.memref_squeeze %dma_wait3A_30 : memref<1x128xi32, #tpu.memory_space<vmem>> -> memref<128xi32, #tpu.memory_space<vmem>>
        %dma_wait3A_32 = arith.constant 0 : i32
        %dma_wait3A_33 = arith.constant 0 : i32
        %dma_wait3A_34 = tpu.memref_slice %arg10[%dma_wait3A_32, %dma_wait3A_33] : memref<10240x64xf32, #tpu.memory_space<vmem_shared>> -> memref<10240x64xf32, #tpu.memory_space<vmem_shared>>
        tpu.wait_indirect_dma semaphore(%run_scoped3A : memref<!tpu.dma_semaphore, #tpu.memory_space<semaphore_mem>>) src(%arg9 : memref<128x64xf32, #tpu.memory_space<vmem>>) dst(%dma_wait3A_34 : memref<10240x64xf32, #tpu.memory_space<vmem_shared>>)
        tpu.yield
      }) : () -> ()
    }
    %scan3A_6 = arith.constant 80 : i32
    %barrier3A_7 = arith.constant 0 : index
    tpu.barrier barrier_id(%barrier3A_7)
    "tpu.region"() ({
      %run_scoped3A = tpu.sem_alloc : memref<!tpu.dma_semaphore, #tpu.memory_space<semaphore_mem>>
      %dma_start3A = arith.constant 0 : i32
      %dma_start3A_8 = arith.constant 0 : i32
      %dma_start3A_9 = tpu.memref_slice %arg6[%arg0, %dma_start3A, %dma_start3A_8] : memref<2x10240x64xf32, #tpu.memory_space<hbm>> -> memref<1x10240x64xf32, #tpu.memory_space<hbm>>
      %dma_start3A_10 = tpu.memref_squeeze %dma_start3A_9 : memref<1x10240x64xf32, #tpu.memory_space<hbm>> -> memref<10240x64xf32, #tpu.memory_space<hbm>>
      %dma_start3A_11 = arith.constant 0 : i32
      %dma_start3A_12 = tpu.memref_slice %dma_start3A_10[%mul3A_2, %dma_start3A_11] : memref<10240x64xf32, #tpu.memory_space<hbm>> -> memref<640x64xf32, #tpu.memory_space<hbm>>
      %dma_start3A_13 = arith.constant 0 : i32
      %dma_start3A_14 = tpu.memref_slice %arg10[%mul3A_2, %dma_start3A_13] : memref<10240x64xf32, #tpu.memory_space<vmem_shared>> -> memref<640x64xf32, #tpu.memory_space<vmem_shared>>
      tpu.enqueue_dma source(%dma_start3A_14 : memref<640x64xf32, #tpu.memory_space<vmem_shared>>) target(%dma_start3A_12 : memref<640x64xf32, #tpu.memory_space<hbm>>) target_semaphore(%run_scoped3A : memref<!tpu.dma_semaphore, #tpu.memory_space<semaphore_mem>>)
      %dma_wait3A = arith.constant 0 : i32
      %dma_wait3A_15 = arith.constant 0 : i32
      %dma_wait3A_16 = tpu.memref_slice %arg6[%arg0, %dma_wait3A, %dma_wait3A_15] : memref<2x10240x64xf32, #tpu.memory_space<hbm>> -> memref<1x10240x64xf32, #tpu.memory_space<hbm>>
      %dma_wait3A_17 = tpu.memref_squeeze %dma_wait3A_16 : memref<1x10240x64xf32, #tpu.memory_space<hbm>> -> memref<10240x64xf32, #tpu.memory_space<hbm>>
      %dma_wait3A_18 = arith.constant 0 : i32
      %dma_wait3A_19 = tpu.memref_slice %dma_wait3A_17[%mul3A_2, %dma_wait3A_18] : memref<10240x64xf32, #tpu.memory_space<hbm>> -> memref<640x64xf32, #tpu.memory_space<hbm>>
      %dma_wait3A_20 = arith.constant 0 : i32
      %dma_wait3A_21 = tpu.memref_slice %arg10[%mul3A_2, %dma_wait3A_20] : memref<10240x64xf32, #tpu.memory_space<vmem_shared>> -> memref<640x64xf32, #tpu.memory_space<vmem_shared>>
      tpu.wait_dma2 semaphore(%run_scoped3A : memref<!tpu.dma_semaphore, #tpu.memory_space<semaphore_mem>>) src(%dma_wait3A_21 : memref<640x64xf32, #tpu.memory_space<vmem_shared>>) dst(%dma_wait3A_19 : memref<640x64xf32, #tpu.memory_space<hbm>>)
      tpu.yield
    }) : () -> ()
    return
  }
}

module attributes {stable_mosaic.version = 14 : i64} {
  func.func @body(%arg0: memref<10240x128xf32, #tpu.memory_space<vmem>>, %arg1: memref<64x128xf32, #tpu.memory_space<vmem>>, %arg2: memref<2x10240xf32, #tpu.memory_space<vmem>>, %arg3: memref<10240x64xf32, #tpu.memory_space<vmem>>, %arg4: memref<10240xf32, #tpu.memory_space<vmem>>, %arg5: memref<10240xf32, #tpu.memory_space<vmem>>) attributes {dimension_semantics = [], scalar_prefetch = 0 : i64, scratch_operands = 0 : i64, tpu.core_type = #tpu.core_type<tc>} {
    %get3A = arith.constant 0 : index
    %get3A_0 = arith.constant 0 : index
    %get3A_1 = vector.load %arg2[%get3A, %get3A_0] : memref<2x10240xf32, #tpu.memory_space<vmem>>, vector<1x10240xf32>
    %get3A_2 = vector.shape_cast %get3A_1 : vector<1x10240xf32> to vector<10240xf32>
    %get3A_3 = arith.constant 1 : index
    %get3A_4 = arith.constant 0 : index
    %get3A_5 = vector.load %arg2[%get3A_3, %get3A_4] : memref<2x10240xf32, #tpu.memory_space<vmem>>, vector<1x10240xf32>
    %get3A_6 = vector.shape_cast %get3A_5 : vector<1x10240xf32> to vector<10240xf32>
    %add3A = arith.addf %get3A_2, %get3A_6 : vector<10240xf32>
    %gt3A = arith.constant 0.000000e+00 : f32
    %gt3A_7 = vector.broadcast %gt3A : f32 to vector<10240xf32>
    %gt3A_8 = arith.cmpf ogt, %add3A, %gt3A_7 : vector<10240xf32>
    %rsqrt3A = math.rsqrt %add3A : vector<10240xf32>
    %jit3A = arith.constant 0.000000e+00 : f32
    %broadcast_in_dim3A = vector.broadcast %jit3A : f32 to vector<10240xf32>
    %select_n3A = arith.select %gt3A_8, %rsqrt3A, %broadcast_in_dim3A : vector<10240xi1>, vector<10240xf32>
    %get3A_9 = arith.constant 0 : index
    %get3A_10 = arith.constant 0 : index
    %get3A_11 = vector.load %arg0[%get3A_9, %get3A_10] : memref<10240x128xf32, #tpu.memory_space<vmem>>, vector<10240x128xf32>
    %get3A_12 = arith.constant 0 : index
    %get3A_13 = arith.constant 0 : index
    %get3A_14 = vector.load %arg1[%get3A_12, %get3A_13] : memref<64x128xf32, #tpu.memory_space<vmem>>, vector<64x128xf32>
    %dot_general3A = arith.constant dense<0.000000e+00> : vector<10240x64xf32>
    %dot_general3A_15 = tpu.matmul %get3A_11, %get3A_14, %dot_general3A {dimension_numbers = #tpu.dot_dimension_numbers<[1], [1], [0], [0], [0, 0, 1, 0], [], []>, transpose_lhs_hint = false} : vector<10240x128xf32>, vector<64x128xf32>, vector<10240x64xf32> -> vector<10240x64xf32>
    %broadcast_in_dim3A_16 = vector.shape_cast %select_n3A : vector<10240xf32> to vector<10240x1xf32>
    %mul3A = vector.broadcast %broadcast_in_dim3A_16 : vector<10240x1xf32> to vector<10240x64xf32>
    %mul3A_17 = arith.mulf %dot_general3A_15, %mul3A : vector<10240x64xf32>
    %swap3A = arith.constant 0 : index
    %swap3A_18 = arith.constant 0 : index
    %swap3A_19 = vector.load %arg3[%swap3A, %swap3A_18] : memref<10240x64xf32, #tpu.memory_space<vmem>>, vector<10240x64xf32>
    tpu.vector_store %arg3[%swap3A, %swap3A_18], %mul3A_17 {strides = array<i32>} : memref<10240x64xf32, #tpu.memory_space<vmem>>, vector<10240x64xf32>,
    %swap3A_20 = arith.constant 0 : index
    %swap3A_21 = vector.load %arg4[%swap3A_20] : memref<10240xf32, #tpu.memory_space<vmem>>, vector<10240xf32>
    tpu.vector_store %arg4[%swap3A_20], %select_n3A {strides = array<i32>} : memref<10240xf32, #tpu.memory_space<vmem>>, vector<10240xf32>,
    %div3A = arith.constant 1.000000e+00 : f32
    %div3A_22 = vector.broadcast %div3A : f32 to vector<10240xf32>
    %div3A_23 = arith.divf %div3A_22, %add3A : vector<10240xf32>
    %jit3A_24 = arith.constant 0.000000e+00 : f32
    %broadcast_in_dim3A_25 = vector.broadcast %jit3A_24 : f32 to vector<10240xf32>
    %select_n3A_26 = arith.select %gt3A_8, %div3A_23, %broadcast_in_dim3A_25 : vector<10240xi1>, vector<10240xf32>
    %swap3A_27 = arith.constant 0 : index
    %swap3A_28 = vector.load %arg5[%swap3A_27] : memref<10240xf32, #tpu.memory_space<vmem>>, vector<10240xf32>
    tpu.vector_store %arg5[%swap3A_27], %select_n3A_26 {strides = array<i32>} : memref<10240xf32, #tpu.memory_space<vmem>>, vector<10240xf32>,
    return
  }
}

module attributes {stable_mosaic.version = 14 : i64} {
  func.func @body(%arg0: memref<2x10240x64xf32, #tpu.memory_space<vmem>>, %arg1: memref<10240xf32, #tpu.memory_space<vmem>>, %arg2: memref<10240x64xf32, #tpu.memory_space<vmem>>) attributes {dimension_semantics = [], scalar_prefetch = 0 : i64, scratch_operands = 0 : i64, tpu.core_type = #tpu.core_type<tc>} {
    %get3A = arith.constant 0 : index
    %get3A_0 = arith.constant 0 : index
    %get3A_1 = arith.constant 0 : index
    %get3A_2 = vector.load %arg0[%get3A, %get3A_0, %get3A_1] : memref<2x10240x64xf32, #tpu.memory_space<vmem>>, vector<1x10240x64xf32>
    %get3A_3 = vector.shape_cast %get3A_2 : vector<1x10240x64xf32> to vector<10240x64xf32>
    %get3A_4 = arith.constant 1 : index
    %get3A_5 = arith.constant 0 : index
    %get3A_6 = arith.constant 0 : index
    %get3A_7 = vector.load %arg0[%get3A_4, %get3A_5, %get3A_6] : memref<2x10240x64xf32, #tpu.memory_space<vmem>>, vector<1x10240x64xf32>
    %get3A_8 = vector.shape_cast %get3A_7 : vector<1x10240x64xf32> to vector<10240x64xf32>
    %add3A = arith.addf %get3A_3, %get3A_8 : vector<10240x64xf32>
    %get3A_9 = arith.constant 0 : index
    %get3A_10 = vector.load %arg1[%get3A_9] : memref<10240xf32, #tpu.memory_space<vmem>>, vector<10240xf32>
    %broadcast_in_dim3A = vector.shape_cast %get3A_10 : vector<10240xf32> to vector<10240x1xf32>
    %mul3A = vector.broadcast %broadcast_in_dim3A : vector<10240x1xf32> to vector<10240x64xf32>
    %mul3A_11 = arith.mulf %add3A, %mul3A : vector<10240x64xf32>
    %swap3A = arith.constant 0 : index
    %swap3A_12 = arith.constant 0 : index
    %swap3A_13 = vector.load %arg2[%swap3A, %swap3A_12] : memref<10240x64xf32, #tpu.memory_space<vmem>>, vector<10240x64xf32>
    tpu.vector_store %arg2[%swap3A, %swap3A_12], %mul3A_11 {strides = array<i32>} : memref<10240x64xf32, #tpu.memory_space<vmem>>, vector<10240x64xf32>,
    return
  }
}

</mosaic_0001>

<sc_bundles>
// kernel: kernel.11.cloned.1.call-start
scs
__scs_entry_jumppad:
0x0: {  	(pc) =	sbr.rel $0x88, $3  }
0x1: {  	(tag) =	ssettag $0x0;
	lr =	simm.s32 $0x1  }
0x2: {  	[smem:$0x3F9E] =	sst lr;
	_ =	strace $0xD0000000  }
0x3: {  	_ = 	snop  }
0x4: {  	_ = 	snop  }
0x5: {  	_ = 	snop  }
0x6: {  	_ = 	snop  }
0x7: {  	_ = 	snop  }
__scs_overlays_trampoline_lowered:
0x8: {  	[smem:$0x3FAD] =	sst s0  }
0x9: {  	[smem:$0x3FAE] =	sst s1  }
0xa: {  	[smem:$0x3FAF] =	sst s2  }
0xb: {  	[smem:$0x3FB0] =	sst s3  }
0xc: {  	[smem:$0x3FB1] =	sst s4  }
0xd: {  	[smem:$0x3FB2] =	sst s5  }
0xe: {  	[smem:$0x3FB3] =	sst s6  }
0xf: {  	[smem:$0x3FB4] =	sst s7  }
0x10: {  	[smem:$0x3FB5] =	sst s8  }
0x11: {  	[smem:$0x3FB6] =	sst s9;
	s0 =	simm.s32 @!p0 $0x0  }
0x12: {  	s1 =	sld [smem:$0x3F9C];
	s0 =	simm.s32 @p0 $0x1  }
0x13: {  	[smem:$0x3FB7] =	sst s0;
	s0 =	simm.s32 @!p1 $0x0  }
0x14: {  	s2 =	sld [smem:$0x3F9B];
	s0 =	simm.s32 @p1 $0x1  }
0x15: {  	[smem:$0x3FB8] =	sst s0;
	s0 =	simm.s32 @!p2 $0x0  }
0x16: {  	s3 =	sld [smem:$0x3FDB];
	s0 =	simm.s32 @p2 $0x1  }
0x17: {  	s4 =	simm.s32 $0x1BF5;
	[smem:$0x3FBA] =	sst s0  }
0x18: {  	s0 =	sld [smem:$0x3F9D];
	_ =	swait.ge [sflag:s4], $0x0  }
0x19: {  	s7 =	sld [smem:$0x3F9E]  }
0x1a: {  	s8 =	sadd.s32 $0xFFFFE003, lr  }
0x1b: {  	s9 =	sadd.s32 $0xFFFFFEF7, lr;
	s5 =	simm.s32 $0xFFFFFFFF;
	p2 =	slt.u32 s8, $0xFFFFF086  }
0x1c: {  	p1 =	slt.u32 s9, $0xF7A;
	s5 =	simm.s32 @!p2 $0x0  }
0x1d: {  	s5 =	simm.s32 @p1 $0x1;
	p0 =	seq.s32 s7, s2  }
0x1e: {  	s7 =	smul.u32 @!p0 $0xF7A, s2;
	p2 =	seq.s32 @!p0 s5, $0x0  }
0x1f: {  	s9 =	smul.u32 $0xF7A, s1;
	s8 =	simm.s32 @!p0 $0x1BF5;
	p2 =	por !p2, p0  }
0x20: {  	[sflag:s8] =	ssyncset.s32 @!p0 $0xFFFFF086;
	s6 =	sadd.s32 @!p0 s3, s7;
	s7 =	simm.s32 @!p0 $0x108  }
0x21: {  	s3 =	sadd.s32 s3, s9;
	s6 =	sadd.s32 @!p0 $0x88, s6;
	s7 =	simm.s32 @p2 $0x1082  }
0x22: {  	[simem:s7], [sflag:s8] =	dma.local @!p0 [hbm:s6], $0xF7A  }
0x23: {  	s9 =	sor.u32 $0xD0000000, s2;
	s6 =	simm.s32 $0x108;
	_ =	swait.ge @!p0 [sflag:s8], $0x0  }
0x24: {  	s3 =	sadd.s32 $0x88, s3;
	s6 =	simm.s32 @!p1 $0x1082;
	[sflag:s4] =	ssyncset.s32 $0xFFFFF086  }
0x25: {  	[simem:s6], [sflag:s4] =	dma.local [hbm:s3], $0xF7A  }
0x26: {  	[smem:$0x3F9E] =	sst s1;
	(tag) =	ssettag s2;
	_ =	strace s9  }
0x27: {  	s1 =	sld [smem:$0x3FAE]  }
0x28: {  	s2 =	sld [smem:$0x3FAF]  }
0x29: {  	s4 =	sld [smem:$0x3FB1]  }
0x2a: {  	p0 =	seq.s32 s5, $0x0;
	s5 =	sld [smem:$0x3FB2]  }
0x2b: {  	s6 =	sld [smem:$0x3FB3]  }
0x2c: {  	s7 =	sld [smem:$0x3FB4]  }
0x2d: {  	s3 =	simm.s32 $0x108;
	s8 =	sld [smem:$0x3FB5]  }
0x2e: {  	s3 =	simm.s32 @!p0 $0x1082;
	s9 =	sld [smem:$0x3FB6]  }
0x2f: {  	lr =	sadd.s32 s0, s3;
	s0 =	sld [smem:$0x3FAD]  }
0x30: {  	s3 =	sld [smem:$0x3FB0]  }
0x31: {  	[smem:$0x3FB9] =	sst s10  }
0x32: {  	s10 =	sld [smem:$0x3FB7];
	_ =	sdelay $0x3  }
0x33: {  	p0 =	seq.s32 s10, $0x1;
	s10 =	sld [smem:$0x3FB9];
	_ =	sdelay $0x3  }
0x34: {  	[smem:$0x3FB9] =	sst s10  }
0x35: {  	s10 =	sld [smem:$0x3FB8];
	_ =	sdelay $0x3  }
0x36: {  	p1 =	seq.s32 s10, $0x1;
	s10 =	sld [smem:$0x3FB9];
	_ =	sdelay $0x3  }
0x37: {  	[smem:$0x3FB9] =	sst s10  }
0x38: {  	s10 =	sld [smem:$0x3FBA]  }
0x39: {  	_ = 	snop;
	(pc) =	sbr.ind lr, $3  }
0x3a: {  	_ = 	snop  }
0x3b: {  	_ = 	snop  }
0x3c: {  	p2 =	seq.s32 s10, $0x1;
	s10 =	sld [smem:$0x3FB9]  }
0x3d: {  	_ =	shalt  }
0x3e: {  	_ =	shalt  }
0x3f: {  	_ =	shalt  }
0x40: {  	_ =	shalt  }
0x41: {  	_ =	shalt  }
0x42: {  	_ =	shalt  }
0x43: {  	_ =	shalt  }
0x44: {  	_ =	shalt  }
0x45: {  	_ =	shalt  }
0x46: {  	_ =	shalt  }
0x47: {  	_ =	shalt  }
0x48: {  	_ =	shalt  }
0x49: {  	_ =	shalt  }
0x4a: {  	_ =	shalt  }
0x4b: {  	_ =	shalt  }
0x4c: {  	_ =	shalt  }
0x4d: {  	_ =	shalt  }
0x4e: {  	_ =	shalt  }
0x4f: {  	_ =	shalt  }
0x50: {  	_ =	shalt  }
0x51: {  	_ =	shalt  }
0x52: {  	_ =	shalt  }
0x53: {  	_ =	shalt  }
0x54: {  	_ =	shalt  }
0x55: {  	_ =	shalt  }
0x56: {  	_ =	shalt  }
0x57: {  	_ =	shalt  }
0x58: {  	_ =	shalt  }
0x59: {  	_ =	shalt  }
0x5a: {  	_ =	shalt  }
0x5b: {  	_ =	shalt  }
0x5c: {  	_ =	shalt  }
0x5d: {  	_ =	shalt  }
0x5e: {  	_ =	shalt  }
0x5f: {  	_ =	shalt  }
0x60: {  	_ =	shalt  }
0x61: {  	_ =	shalt  }
0x62: {  	_ =	shalt  }
0x63: {  	_ =	shalt  }
0x64: {  	_ =	shalt  }
0x65: {  	_ =	shalt  }
0x66: {  	_ =	shalt  }
0x67: {  	_ =	shalt  }
0x68: {  	_ =	shalt  }
0x69: {  	_ =	shalt  }
0x6a: {  	_ =	shalt  }
0x6b: {  	_ =	shalt  }
0x6c: {  	_ =	shalt  }
0x6d: {  	_ =	shalt  }
0x6e: {  	_ =	shalt  }
0x6f: {  	_ =	shalt  }
0x70: {  	_ =	shalt  }
0x71: {  	_ =	shalt  }
0x72: {  	_ =	shalt  }
0x73: {  	_ =	shalt  }
0x74: {  	_ =	shalt  }
0x75: {  	_ =	shalt  }
0x76: {  	_ =	shalt  }
0x77: {  	_ =	shalt  }
0x78: {  	_ =	shalt  }
0x79: {  	_ =	shalt  }
0x7a: {  	_ =	shalt  }
0x7b: {  	_ =	shalt  }
0x7c: {  	_ =	shalt  }
0x7d: {  	_ =	shalt  }
0x7e: {  	_ =	shalt  }
0x7f: {  	_ =	shalt  }
0x80: {  	_ =	shalt  }
0x81: {  	_ =	shalt  }
0x82: {  	_ =	shalt  }
0x83: {  	_ =	shalt  }
0x84: {  	_ =	shalt  }
0x85: {  	_ =	shalt  }
0x86: {  	_ =	shalt  }
0x87: {  	_ =	shalt  }
.Lfunc_end0:
.L_simem_size_0:
called_computation.1_lowered:
.L_overlay_start_0:
0x88: {  	s2 =	sld [smem:$0x3FD9]  }
0x89: {  	s3 =	sld [smem:$0x3FFE];
	_ =	sdelay $0x1  }
0x8a: {  	s1 =	srdreg.scid  }
0x8b: {  	s0 =	sand.u32 $0x1, s1  }
0x8c: {  	s17 =	sshll.u32 s0, $0xA;
	s2 =	sadd.s32 s3, s2  }
0x8d: {  	s2 =	sadd.s32 s2, s17  }
0x8e: {  	[smem:$0x3FC5] =	sst s2  }
0x8f: {  	_ = 	snop  }
0x90: {  	s2 =	sld [smem:$0x3FD0];
	(tm) =	ssettm $0x1  }
0x91: {  	s18 =	sld [smem:$0x3FFB];
	_ =	sdelay $0x3  }
0x92: {  	_ =	strace s18  }
0x93: {  	s3 =	sld [smem:$0x3FFC];
	_ =	sdelay $0x3  }
0x94: {  	_ =	strace s3  }
0x95: {  	s3 =	sld [smem:$0x3FFD];
	_ =	sdelay $0x3  }
0x96: {  	_ =	strace s3  }
0x97: {  	_ =	strace $0x8FFFFFFF  }
0x98: {  	s19 =	sld [smem:$0x3FDB];
	_ =	sdelay $0x1  }
0x99: {  	s4 =	simm.s32 $_scs_section_size  }
0x9a: {  	s5 =	simm.s32 $_size__tile_overlayer_lowered;
	s6 =	simm.s32 $_tile_overlayer_lowered  }
0x9b: {  	s22 =	simm.s32 $0x1BFF;
	s21 =	sshll.u32 s6, $0x1;
	s3 =	sadd.s32 s4, s19  }
0x9c: {  	s7 =	simm.s32 $0x0;
	s20 =	sshll.u32 s5, $0x1;
	s5 =	sadd.s32 s21, s3  }
0x9d: {  	[timem:s7], [sflag:s22] =	dma.local [hbm:s5], s20  }
0x9e: {  	_ =	swait.ge [sflag:s22], s20  }
0x9f: {  	s4 =	ssub.s32 $0x0, s20;
	[sflag:s22] =	ssyncset.done $0x0  }
0xa0: {  	[sflag:s22] =	ssyncadd.s32 s4;
	_ =	sdelay $0x1  }
0xa1: {  	s23 =	simm.s32 $0x1B8B  }
0xa2: {  	_ =	swait.ge [sflag:s23], $0x1  }
0xa3: {  	[sflag:s23] =	ssyncset.done $0x0  }
0xa4: {  	s25 =	simm.s32 $0x1B8E;
	s24 =	sld [smem:$0x3FFE];
	[sflag:s23] =	ssyncadd.s32 $0xFFFFFFFF  }
0xa5: {  	s26 =	simm.s32 $execute0_lowered;
	[smem:$0x3FD2] =	sst s25  }
0xa6: {  	s5 =	sshll.u32 s26, $0x1;
	_ =	strace $0x80000049;
	[dreg:$0x1] =	wrdreg $0xFFFFFFFF  }
0xa7: {  	s28 =	simm.s32 $_size_execute0_lowered;
	s3 =	sadd.s32 s3, s5;
	[dreg:$0x0] =	wrdreg $0x0  }
0xa8: {  	s5 =	sshll.u32 s28, $0x1;
	[dreg:$0x2] =	wrdreg s3  }
0xa9: {  	[dreg:$0x3] =	wrdreg s5  }
0xaa: {  	[dreg:$0x4] =	wrdreg $0xC0  }
0xab: {  	_ =	task [dreg:s7], $0x5FFFF  }
0xac: {  	[dreg:$0x1] =	wrdreg $0xFFFFFFFF  }
0xad: {  	[dreg:$0x0] =	wrdreg $0x60  }
0xae: {  	[dreg:$0x2] =	wrdreg s24  }
0xaf: {  	[dreg:$0x3] =	wrdreg s2  }
0xb0: {  	[dreg:$0x4] =	wrdreg $0x70000  }
0xb1: {  	[dreg:$0x5] =	wrdreg $0x9  }
0xb2: {  	_ =	task.clear_ibuf [dreg:s7], $0x6FFFF;
	_ =	strace $0x90000049  }
0xb3: {  	s29 =	simm.s32 $0x9;
	_ =	strace $0x8000004B  }
0xb4: {  	_ =	swait.ge [sflag:s29], $0x1  }
0xb5: {  	[sflag:s29] =	ssyncadd.s32 $0xFFFFFFFF  }
0xb6: {  	_ =	strace $0x9000004B  }
0xb7: {  	_ =	sfence  }
0xb8: {  	s30 =	sld [smem:$0x0];
	_ =	sdelay $0x2  }
0xb9: {  	s31 =	sshll.u32 s1, $0xD;
	s1 =	sshrl.u32 s1, $0x2  }
0xba: {  	s3 =	sand.u32 $0x4000, s31;
	s1 =	sadd.s32 s1, s30  }
0xbb: {  	s0 =	sor.u32 s3, s0;
	s1 =	sshll.u32 s1, $0x11  }
0xbc: {  	s0 =	sor.u32 s1, s0  }
0xbd: {  	s0 =	sadd.s32 $0x8F2B, s0  }
0xbe: {  	[sflag:s0] =	ssyncadd.remote.s32 $0x1  }
0xbf: {  	_ =	sfence.sel $0xFFFF  }
0xc0: {  	[dreg:$0x0] =	wrdreg $0xFFFFFFFF;
	(pc) =	sbr.abs _section_cstart, $3  }
0xc1: {  	[dreg:$0x1] =	wrdreg $0xFFFFFFFF  }
0xc2: {  	_ =	task.clear_ibuf [dreg:s7], $0x2FFFF;
	_ =	strace $0x9FFFFFFF  }
0xc3: {  	(tm) =	ssettm $0x7FFFFFFF  }
tec
execute0_lowered:
.L_overlay_start_1:
0x0: {  	(tag) =	ssettag $0x1  }
0x1: {  	s5 =	rddreg [dreg:$0x0]  }
0x2: {  	s8 =	rddreg [dreg:$0x1]  }
0x3: {  	s1 =	rddreg [dreg:$0x2]  }
0x4: {  	s2 =	srdreg.scid;
	s0 =	rddreg [dreg:$0x3];
	s3 =	simm.s32 $0x0  }
0x5: {  	s6 =	sand.u32 $0x1, s2;
	s2 =	stileid.u32;
	[smem:$0x7FF] =	sst s3  }
0x6: {  	s4 =	sshll.u32 s6, $0x4;
	s9 =	smul.u32 $0xA000, s2;
	_ =	strace $0x8000004A  }
0x7: {  	s30 =	smul.u32 $0x14000, s6;
	s6 =	ssub.s32 $0x2, s6;
	s31 =	sshll.u32 s2, $0x6  }
0x8: {  	s7 =	sor.u32 s2, s4;
	s4 =	sadd.s32 $0xC400, s5;
	s13 =	sshrl.u32 s6, $0x1  }
0x9: {  	s10 =	smul.u32 $0x500, s7;
	s16 =	sshrl.u32 s9, $0x3;
	s14 =	sadd.s32 s30, s5  }
0xa: {  	s13 =	ssub.s32 s6, s13;
	s15 =	sadd.s32 s9, s1;
	s6 =	sor.u32 $0x1C02, s31  }
0xb: {  	s12 =	sadd.s32 s16, s5;
	s17 =	sadd.s32 $0x34400, s14;
	s9 =	smax.u32 s13, $0x1  }
0xc: {  	s13 =	simm.s32 $0x80;
	s14 =	simm.s32 $0x5000;
	s11 =	sadd.s32 s10, s5  }
0xd: {  	s5 =	sadd.s32 $0x20400, s12;
	s8 =	sadd.s32 s8, s10;
	s10 =	sshrl.u32 s15, $0x3  }
0xe: {  	s12 =	simm.s32 $0x2800;
	s15 =	simm.s32 $0x1;
	s16 =	sadd.s32 s16, s17  }
0xf: {  	s17 =	simm.s32 $0x0;
	s7 =	sadd.s32 $0x2400, s11;
	s11 =	simm.s32 $0x2  }
.LBB2_1:
0x10: {  	[spmem:s10], [sflag:s6] =	dma.local [hbm:s5], $0x1400  }
0x11: {  	_ =	swait.ge [sflag:s11], $0x1400  }
0x12: {  	[sflag:s11] =	ssyncset.done $0x0  }
0x13: {  	[sflag:s11] =	ssyncadd.s32 $0xFFFFEC00  }
0x14: {  	[tilespmem:s3], [sflag:$0x2] =	stream.linear.gather [hbm4b:s7+s3], $0x2800, $0x38;
	[tilespmem:$0x11000] =	vst v63  }
0x15: {  	_ =	swait.ge [sflag:s11], $0x2800  }
0x16: {  	[sflag:s11] =	ssyncset.done $0x0  }
0x17: {  	[sflag:s11] =	ssyncadd.s32 $0xFFFFD800  }
0x18: {  	[tilespmem:s12], [sflag:$0x2] =	stream.linear.gather [hbm4b:s8+s3], $0x2800, $0x38;
	[tilespmem:$0x11000] =	vst v63  }
0x19: {  	_ =	swait.ge [sflag:s11], $0x2800  }
0x1a: {  	[sflag:s11] =	ssyncset.done $0x0  }
0x1b: {  	[sflag:s11] =	ssyncadd.s32 $0xFFFFD800  }
0x1c: {  	s18 =	simm.s32 $0x0;
	[bflag:$0x0] =	sbarrier.arrive $0xFFFF  }
0x1d: {  	[tilespmem:s14], [sflag:$0x1] =	stream.indirect.gather [hbm4b:s4+s13], $0x40, s18, s13, $0xb8;
	[tilespmem:$0x11000] =	vst v63  }
0x1e: {  	_ =	swait.ge [sflag:s15], $0x2000  }
0x1f: {  	[sflag:s15] =	ssyncset.done $0x0  }
0x20: {  	s31 =	simm.s32 $0x2800;
	[sflag:s15] =	ssyncadd.s32 $0xFFFFE000  }
0x21: {  	[spmem:s1] =	stream.indirect.scatter.add.f32 [tilespmem:s14], [sflag:$0x2], $0x40, s31, s13, $0xb8;
	[tilespmem:$0x11000] =	vst v63  }
0x22: {  	_ =	swait.ge [sflag:s11], $0x2000  }
0x23: {  	s19 =	simm.s32 $0x400;
	s18 =	simm.s32 $0x200;
	[sflag:s11] =	ssyncset.done $0x0  }
.LBB2_2:
0x24: {  	s20 =	sshra.s32 s18, $0x2  }
0x25: {  	[sflag:s11] =	ssyncadd.s32 $0xFFFFE000;
	s18 =	smov.u32 s19;
	s21 =	sadd.s32 $0x200, s19  }
0x26: {  	[tilespmem:s14], [sflag:$0x1] =	stream.indirect.gather [hbm4b:s4+s13], $0x40, s20, s13, $0xb8;
	[tilespmem:$0x11000] =	vst v63  }
0x27: {  	p0 =	sne.s32 s19, $0x9E00;
	_ =	swait.ge [sflag:s15], $0x2000  }
.Ltmp0:
0x28: {  	[sflag:s15] =	ssyncset.done $0x0;
	(pc) =	sbr.rel @p0 .LBB2_2-.Ltmp0, $4  }
0x29: {  	s19 =	sadd.s32 $0x2800, s20;
	[sflag:s15] =	ssyncadd.s32 $0xFFFFE000  }
0x2a: {  	[spmem:s1] =	stream.indirect.scatter.add.f32 [tilespmem:s14], [sflag:$0x2], $0x40, s19, s13, $0xb8;
	[tilespmem:$0x11000] =	vst v63  }
0x2b: {  	_ =	swait.ge [sflag:s11], $0x2000  }
0x2c: {  	s19 =	smov.u32 s21;
	[sflag:s11] =	ssyncset.done $0x0  }
0x2d: {  	s18 =	sshra.s32 s18, $0x2;
	[sflag:s11] =	ssyncadd.s32 $0xFFFFE000  }
0x2e: {  	[tilespmem:s14], [sflag:$0x1] =	stream.indirect.gather [hbm4b:s4+s13], $0x40, s18, s13, $0xb8;
	[tilespmem:$0x11000] =	vst v63  }
0x2f: {  	_ =	swait.ge [sflag:s15], $0x2000  }
0x30: {  	[sflag:s15] =	ssyncset.done $0x0  }
0x31: {  	s18 =	sadd.s32 $0x2800, s18;
	[sflag:s15] =	ssyncadd.s32 $0xFFFFE000  }
0x32: {  	[spmem:s1] =	stream.indirect.scatter.add.f32 [tilespmem:s14], [sflag:$0x2], $0x40, s18, s13, $0xb8;
	[tilespmem:$0x11000] =	vst v63  }
0x33: {  	_ =	swait.ge [sflag:s11], $0x2000  }
0x34: {  	s17 =	sadd.s32 $0x1, s17;
	[sflag:s11] =	ssyncset.done $0x0  }
0x35: {  	p0 =	sne.s32 s17, s9;
	[sflag:s11] =	ssyncadd.s32 $0xFFFFE000  }
.Ltmp1:
0x36: {  	[bflag:$0x0] =	sbarrier.arrive $0xFFFF;
	(pc) =	sbr.rel @p0 .LBB2_1-.Ltmp1, $4  }
0x37: {  	[hbm:s16], [sflag:s6] =	dma.local [spmem:s10], $0x1400  }
0x38: {  	_ =	swait.ge [sflag:s11], $0x1400  }
0x39: {  	[sflag:s11] =	ssyncset.done $0x0  }
0x3a: {  	[sflag:s11] =	ssyncadd.s32 $0xFFFFEC00  }
0x3b: {  	_ =	sfence.sel $0x180000  }
0x3c: {  	[bflag:$0x0] =	sbarrier.arrive $0xFFFF  }
0x3d: {  	p0 =	sne.s32 s2, $0x0;
	_ =	strace $0x9000004A  }
0x3e: {  	s0 =	sadd.s32 @!p0 $0x100000, s0;
	[bflag:$0x2] =	sbarrier.arrive $0xFFFF  }
0x3f: {  	[sflag:s0] =	ssyncadd.tile.s32 @!p0 $0x1;
	_ =	shalt  }
.Lfunc_end2:
_tile_overlayer_lowered:
.L_overlay_start_2:
0x40: {  	(tag) =	ssettag $0x2  }
0x41: {  	s0 =	rddreg [dreg:$0x0];
	s2 =	stileid.u32  }
0x42: {  	s1 =	rddreg [dreg:$0x1];
	p0 =	sne.s32 s2, $0x0  }
0x43: {  	s3 =	rddreg [dreg:$0x2];
	[bflag:$0x3] =	sbarrier.arrive $0xFFFF;
	s2 =	simm.s32 @!p0 $0x1C02  }
0x44: {  	[timem:s3], [sflag:s2] =	dma.local @!p0 [hbm:s0], s1  }
0x45: {  	s0 =	simm.s32 @!p0 $0x2  }
0x46: {  	_ =	swait.ge @!p0 [sflag:s0], s1  }
0x47: {  	s1 =	ssub.s32 @!p0 $0x0, s1;
	[sflag:s0] =	ssyncset.done @!p0 $0x0  }
0x48: {  	[sflag:s0] =	ssyncadd.s32 @!p0 s1  }
0x49: {  	[bflag:$0x3] =	sbarrier.arrive $0xFFFF  }
0x4a: {  	_ =	shalt  }

// kernel: kernel.14.cloned.1.call-start
scs
__scs_entry_jumppad:
0x0: {  	(pc) =	sbr.rel $0x88, $3  }
0x1: {  	(tag) =	ssettag $0x0;
	lr =	simm.s32 $0x1  }
0x2: {  	[smem:$0x3F9E] =	sst lr;
	_ =	strace $0xD0000000  }
0x3: {  	_ = 	snop  }
0x4: {  	_ = 	snop  }
0x5: {  	_ = 	snop  }
0x6: {  	_ = 	snop  }
0x7: {  	_ = 	snop  }
__scs_overlays_trampoline_lowered:
0x8: {  	[smem:$0x3FAD] =	sst s0  }
0x9: {  	[smem:$0x3FAE] =	sst s1  }
0xa: {  	[smem:$0x3FAF] =	sst s2  }
0xb: {  	[smem:$0x3FB0] =	sst s3  }
0xc: {  	[smem:$0x3FB1] =	sst s4  }
0xd: {  	[smem:$0x3FB2] =	sst s5  }
0xe: {  	[smem:$0x3FB3] =	sst s6  }
0xf: {  	[smem:$0x3FB4] =	sst s7  }
0x10: {  	[smem:$0x3FB5] =	sst s8  }
0x11: {  	[smem:$0x3FB6] =	sst s9;
	s0 =	simm.s32 @!p0 $0x0  }
0x12: {  	s1 =	sld [smem:$0x3F9C];
	s0 =	simm.s32 @p0 $0x1  }
0x13: {  	[smem:$0x3FB7] =	sst s0;
	s0 =	simm.s32 @!p1 $0x0  }
0x14: {  	s2 =	sld [smem:$0x3F9B];
	s0 =	simm.s32 @p1 $0x1  }
0x15: {  	[smem:$0x3FB8] =	sst s0;
	s0 =	simm.s32 @!p2 $0x0  }
0x16: {  	s3 =	sld [smem:$0x3FDB];
	s0 =	simm.s32 @p2 $0x1  }
0x17: {  	s4 =	simm.s32 $0x1BF5;
	[smem:$0x3FBA] =	sst s0  }
0x18: {  	s0 =	sld [smem:$0x3F9D];
	_ =	swait.ge [sflag:s4], $0x0  }
0x19: {  	s7 =	sld [smem:$0x3F9E]  }
0x1a: {  	s8 =	sadd.s32 $0xFFFFE003, lr  }
0x1b: {  	s9 =	sadd.s32 $0xFFFFFEF7, lr;
	s5 =	simm.s32 $0xFFFFFFFF;
	p2 =	slt.u32 s8, $0xFFFFF086  }
0x1c: {  	p1 =	slt.u32 s9, $0xF7A;
	s5 =	simm.s32 @!p2 $0x0  }
0x1d: {  	s5 =	simm.s32 @p1 $0x1;
	p0 =	seq.s32 s7, s2  }
0x1e: {  	s7 =	smul.u32 @!p0 $0xF7A, s2;
	p2 =	seq.s32 @!p0 s5, $0x0  }
0x1f: {  	s9 =	smul.u32 $0xF7A, s1;
	s8 =	simm.s32 @!p0 $0x1BF5;
	p2 =	por !p2, p0  }
0x20: {  	[sflag:s8] =	ssyncset.s32 @!p0 $0xFFFFF086;
	s6 =	sadd.s32 @!p0 s3, s7;
	s7 =	simm.s32 @!p0 $0x108  }
0x21: {  	s3 =	sadd.s32 s3, s9;
	s6 =	sadd.s32 @!p0 $0x88, s6;
	s7 =	simm.s32 @p2 $0x1082  }
0x22: {  	[simem:s7], [sflag:s8] =	dma.local @!p0 [hbm:s6], $0xF7A  }
0x23: {  	s9 =	sor.u32 $0xD0000000, s2;
	s6 =	simm.s32 $0x108;
	_ =	swait.ge @!p0 [sflag:s8], $0x0  }
0x24: {  	s3 =	sadd.s32 $0x88, s3;
	s6 =	simm.s32 @!p1 $0x1082;
	[sflag:s4] =	ssyncset.s32 $0xFFFFF086  }
0x25: {  	[simem:s6], [sflag:s4] =	dma.local [hbm:s3], $0xF7A  }
0x26: {  	[smem:$0x3F9E] =	sst s1;
	(tag) =	ssettag s2;
	_ =	strace s9  }
0x27: {  	s1 =	sld [smem:$0x3FAE]  }
0x28: {  	s2 =	sld [smem:$0x3FAF]  }
0x29: {  	s4 =	sld [smem:$0x3FB1]  }
0x2a: {  	p0 =	seq.s32 s5, $0x0;
	s5 =	sld [smem:$0x3FB2]  }
0x2b: {  	s6 =	sld [smem:$0x3FB3]  }
0x2c: {  	s7 =	sld [smem:$0x3FB4]  }
0x2d: {  	s3 =	simm.s32 $0x108;
	s8 =	sld [smem:$0x3FB5]  }
0x2e: {  	s3 =	simm.s32 @!p0 $0x1082;
	s9 =	sld [smem:$0x3FB6]  }
0x2f: {  	lr =	sadd.s32 s0, s3;
	s0 =	sld [smem:$0x3FAD]  }
0x30: {  	s3 =	sld [smem:$0x3FB0]  }
0x31: {  	[smem:$0x3FB9] =	sst s10  }
0x32: {  	s10 =	sld [smem:$0x3FB7];
	_ =	sdelay $0x3  }
0x33: {  	p0 =	seq.s32 s10, $0x1;
	s10 =	sld [smem:$0x3FB9];
	_ =	sdelay $0x3  }
0x34: {  	[smem:$0x3FB9] =	sst s10  }
0x35: {  	s10 =	sld [smem:$0x3FB8];
	_ =	sdelay $0x3  }
0x36: {  	p1 =	seq.s32 s10, $0x1;
	s10 =	sld [smem:$0x3FB9];
	_ =	sdelay $0x3  }
0x37: {  	[smem:$0x3FB9] =	sst s10  }
0x38: {  	s10 =	sld [smem:$0x3FBA]  }
0x39: {  	_ = 	snop;
	(pc) =	sbr.ind lr, $3  }
0x3a: {  	_ = 	snop  }
0x3b: {  	_ = 	snop  }
0x3c: {  	p2 =	seq.s32 s10, $0x1;
	s10 =	sld [smem:$0x3FB9]  }
0x3d: {  	_ =	shalt  }
0x3e: {  	_ =	shalt  }
0x3f: {  	_ =	shalt  }
0x40: {  	_ =	shalt  }
0x41: {  	_ =	shalt  }
0x42: {  	_ =	shalt  }
0x43: {  	_ =	shalt  }
0x44: {  	_ =	shalt  }
0x45: {  	_ =	shalt  }
0x46: {  	_ =	shalt  }
0x47: {  	_ =	shalt  }
0x48: {  	_ =	shalt  }
0x49: {  	_ =	shalt  }
0x4a: {  	_ =	shalt  }
0x4b: {  	_ =	shalt  }
0x4c: {  	_ =	shalt  }
0x4d: {  	_ =	shalt  }
0x4e: {  	_ =	shalt  }
0x4f: {  	_ =	shalt  }
0x50: {  	_ =	shalt  }
0x51: {  	_ =	shalt  }
0x52: {  	_ =	shalt  }
0x53: {  	_ =	shalt  }
0x54: {  	_ =	shalt  }
0x55: {  	_ =	shalt  }
0x56: {  	_ =	shalt  }
0x57: {  	_ =	shalt  }
0x58: {  	_ =	shalt  }
0x59: {  	_ =	shalt  }
0x5a: {  	_ =	shalt  }
0x5b: {  	_ =	shalt  }
0x5c: {  	_ =	shalt  }
0x5d: {  	_ =	shalt  }
0x5e: {  	_ =	shalt  }
0x5f: {  	_ =	shalt  }
0x60: {  	_ =	shalt  }
0x61: {  	_ =	shalt  }
0x62: {  	_ =	shalt  }
0x63: {  	_ =	shalt  }
0x64: {  	_ =	shalt  }
0x65: {  	_ =	shalt  }
0x66: {  	_ =	shalt  }
0x67: {  	_ =	shalt  }
0x68: {  	_ =	shalt  }
0x69: {  	_ =	shalt  }
0x6a: {  	_ =	shalt  }
0x6b: {  	_ =	shalt  }
0x6c: {  	_ =	shalt  }
0x6d: {  	_ =	shalt  }
0x6e: {  	_ =	shalt  }
0x6f: {  	_ =	shalt  }
0x70: {  	_ =	shalt  }
0x71: {  	_ =	shalt  }
0x72: {  	_ =	shalt  }
0x73: {  	_ =	shalt  }
0x74: {  	_ =	shalt  }
0x75: {  	_ =	shalt  }
0x76: {  	_ =	shalt  }
0x77: {  	_ =	shalt  }
0x78: {  	_ =	shalt  }
0x79: {  	_ =	shalt  }
0x7a: {  	_ =	shalt  }
0x7b: {  	_ =	shalt  }
0x7c: {  	_ =	shalt  }
0x7d: {  	_ =	shalt  }
0x7e: {  	_ =	shalt  }
0x7f: {  	_ =	shalt  }
0x80: {  	_ =	shalt  }
0x81: {  	_ =	shalt  }
0x82: {  	_ =	shalt  }
0x83: {  	_ =	shalt  }
0x84: {  	_ =	shalt  }
0x85: {  	_ =	shalt  }
0x86: {  	_ =	shalt  }
0x87: {  	_ =	shalt  }
.Lfunc_end0:
.L_simem_size_0:
called_computation.2_lowered:
.L_overlay_start_0:
0x88: {  	s2 =	sld [smem:$0x3FD9]  }
0x89: {  	s3 =	sld [smem:$0x3FFE];
	_ =	sdelay $0x1  }
0x8a: {  	s1 =	srdreg.scid  }
0x8b: {  	s0 =	sand.u32 $0x1, s1  }
0x8c: {  	s17 =	sshll.u32 s0, $0xA;
	s2 =	sadd.s32 s3, s2  }
0x8d: {  	s2 =	sadd.s32 s2, s17  }
0x8e: {  	[smem:$0x3FC5] =	sst s2  }
0x8f: {  	_ = 	snop  }
0x90: {  	s2 =	sld [smem:$0x3FD0];
	(tm) =	ssettm $0x1  }
0x91: {  	s18 =	sld [smem:$0x3FFB];
	_ =	sdelay $0x3  }
0x92: {  	_ =	strace s18  }
0x93: {  	s3 =	sld [smem:$0x3FFC];
	_ =	sdelay $0x3  }
0x94: {  	_ =	strace s3  }
0x95: {  	s3 =	sld [smem:$0x3FFD];
	_ =	sdelay $0x3  }
0x96: {  	_ =	strace s3  }
0x97: {  	_ =	strace $0x8FFFFFFF  }
0x98: {  	s19 =	sld [smem:$0x3FDB];
	_ =	sdelay $0x1  }
0x99: {  	s4 =	simm.s32 $_scs_section_size  }
0x9a: {  	s5 =	simm.s32 $_size__tile_overlayer_lowered;
	s6 =	simm.s32 $_tile_overlayer_lowered  }
0x9b: {  	s22 =	simm.s32 $0x1BFF;
	s21 =	sshll.u32 s6, $0x1;
	s3 =	sadd.s32 s4, s19  }
0x9c: {  	s7 =	simm.s32 $0x0;
	s20 =	sshll.u32 s5, $0x1;
	s5 =	sadd.s32 s21, s3  }
0x9d: {  	[timem:s7], [sflag:s22] =	dma.local [hbm:s5], s20  }
0x9e: {  	_ =	swait.ge [sflag:s22], s20  }
0x9f: {  	s4 =	ssub.s32 $0x0, s20;
	[sflag:s22] =	ssyncset.done $0x0  }
0xa0: {  	[sflag:s22] =	ssyncadd.s32 s4;
	_ =	sdelay $0x1  }
0xa1: {  	s23 =	simm.s32 $0x1B8B  }
0xa2: {  	_ =	swait.ge [sflag:s23], $0x1  }
0xa3: {  	[sflag:s23] =	ssyncset.done $0x0  }
0xa4: {  	s25 =	simm.s32 $0x1B8E;
	s24 =	sld [smem:$0x3FFE];
	[sflag:s23] =	ssyncadd.s32 $0xFFFFFFFF  }
0xa5: {  	s26 =	simm.s32 $execute0_lowered;
	[smem:$0x3FD2] =	sst s25  }
0xa6: {  	s5 =	sshll.u32 s26, $0x1;
	_ =	strace $0x8000004C;
	[dreg:$0x1] =	wrdreg $0xFFFFFFFF  }
0xa7: {  	s28 =	simm.s32 $_size_execute0_lowered;
	s3 =	sadd.s32 s3, s5;
	[dreg:$0x0] =	wrdreg $0x0  }
0xa8: {  	s5 =	sshll.u32 s28, $0x1;
	[dreg:$0x2] =	wrdreg s3  }
0xa9: {  	[dreg:$0x3] =	wrdreg s5  }
0xaa: {  	[dreg:$0x4] =	wrdreg $0xC0  }
0xab: {  	_ =	task [dreg:s7], $0x5FFFF  }
0xac: {  	[dreg:$0x1] =	wrdreg $0xFFFFFFFF  }
0xad: {  	[dreg:$0x0] =	wrdreg $0x60  }
0xae: {  	[dreg:$0x2] =	wrdreg s24  }
0xaf: {  	[dreg:$0x3] =	wrdreg s2  }
0xb0: {  	[dreg:$0x4] =	wrdreg $0x70000  }
0xb1: {  	[dreg:$0x5] =	wrdreg $0x9  }
0xb2: {  	_ =	task.clear_ibuf [dreg:s7], $0x6FFFF;
	_ =	strace $0x9000004C  }
0xb3: {  	s29 =	simm.s32 $0x9;
	_ =	strace $0x8000004E  }
0xb4: {  	_ =	swait.ge [sflag:s29], $0x1  }
0xb5: {  	[sflag:s29] =	ssyncadd.s32 $0xFFFFFFFF  }
0xb6: {  	_ =	strace $0x9000004E  }
0xb7: {  	_ =	sfence  }
0xb8: {  	s30 =	sld [smem:$0x0];
	_ =	sdelay $0x2  }
0xb9: {  	s31 =	sshll.u32 s1, $0xD;
	s1 =	sshrl.u32 s1, $0x2  }
0xba: {  	s3 =	sand.u32 $0x4000, s31;
	s1 =	sadd.s32 s1, s30  }
0xbb: {  	s0 =	sor.u32 s3, s0;
	s1 =	sshll.u32 s1, $0x11  }
0xbc: {  	s0 =	sor.u32 s1, s0  }
0xbd: {  	s0 =	sadd.s32 $0x8F2B, s0  }
0xbe: {  	[sflag:s0] =	ssyncadd.remote.s32 $0x1  }
0xbf: {  	_ =	sfence.sel $0xFFFF  }
0xc0: {  	[dreg:$0x0] =	wrdreg $0xFFFFFFFF;
	(pc) =	sbr.abs _section_cstart, $3  }
0xc1: {  	[dreg:$0x1] =	wrdreg $0xFFFFFFFF  }
0xc2: {  	_ =	task.clear_ibuf [dreg:s7], $0x2FFFF;
	_ =	strace $0x9FFFFFFF  }
0xc3: {  	(tm) =	ssettm $0x7FFFFFFF  }
tec
execute0_lowered:
.L_overlay_start_1:
0x0: {  	(tag) =	ssettag $0x1  }
0x1: {  	s5 =	rddreg [dreg:$0x0]  }
0x2: {  	s8 =	rddreg [dreg:$0x1]  }
0x3: {  	s1 =	rddreg [dreg:$0x2]  }
0x4: {  	s2 =	srdreg.scid;
	s0 =	rddreg [dreg:$0x3];
	s3 =	simm.s32 $0x0  }
0x5: {  	s6 =	sand.u32 $0x1, s2;
	s2 =	stileid.u32;
	[smem:$0x7FF] =	sst s3  }
0x6: {  	s4 =	sshll.u32 s6, $0x4;
	s9 =	smul.u32 $0xA000, s2;
	_ =	strace $0x8000004D  }
0x7: {  	s30 =	smul.u32 $0x14000, s6;
	s6 =	ssub.s32 $0x2, s6;
	s31 =	sshll.u32 s2, $0x6  }
0x8: {  	s7 =	sor.u32 s2, s4;
	s4 =	sadd.s32 $0xC400, s5;
	s13 =	sshrl.u32 s6, $0x1  }
0x9: {  	s10 =	smul.u32 $0x500, s7;
	s16 =	sshrl.u32 s9, $0x3;
	s14 =	sadd.s32 s30, s5  }
0xa: {  	s13 =	ssub.s32 s6, s13;
	s15 =	sadd.s32 s9, s1;
	s6 =	sor.u32 $0x1C02, s31  }
0xb: {  	s12 =	sadd.s32 s16, s5;
	s17 =	sadd.s32 $0x34400, s14;
	s9 =	smax.u32 s13, $0x1  }
0xc: {  	s13 =	simm.s32 $0x80;
	s14 =	simm.s32 $0x5000;
	s11 =	sadd.s32 s10, s5  }
0xd: {  	s5 =	sadd.s32 $0x20400, s12;
	s8 =	sadd.s32 s8, s10;
	s10 =	sshrl.u32 s15, $0x3  }
0xe: {  	s12 =	simm.s32 $0x2800;
	s15 =	simm.s32 $0x1;
	s16 =	sadd.s32 s16, s17  }
0xf: {  	s17 =	simm.s32 $0x0;
	s7 =	sadd.s32 $0x2400, s11;
	s11 =	simm.s32 $0x2  }
.LBB2_1:
0x10: {  	[spmem:s10], [sflag:s6] =	dma.local [hbm:s5], $0x1400  }
0x11: {  	_ =	swait.ge [sflag:s11], $0x1400  }
0x12: {  	[sflag:s11] =	ssyncset.done $0x0  }
0x13: {  	[sflag:s11] =	ssyncadd.s32 $0xFFFFEC00  }
0x14: {  	[tilespmem:s3], [sflag:$0x2] =	stream.linear.gather [hbm4b:s7+s3], $0x2800, $0x38;
	[tilespmem:$0x11000] =	vst v63  }
0x15: {  	_ =	swait.ge [sflag:s11], $0x2800  }
0x16: {  	[sflag:s11] =	ssyncset.done $0x0  }
0x17: {  	[sflag:s11] =	ssyncadd.s32 $0xFFFFD800  }
0x18: {  	[tilespmem:s12], [sflag:$0x2] =	stream.linear.gather [hbm4b:s8+s3], $0x2800, $0x38;
	[tilespmem:$0x11000] =	vst v63  }
0x19: {  	_ =	swait.ge [sflag:s11], $0x2800  }
0x1a: {  	[sflag:s11] =	ssyncset.done $0x0  }
0x1b: {  	[sflag:s11] =	ssyncadd.s32 $0xFFFFD800  }
0x1c: {  	s18 =	simm.s32 $0x0;
	[bflag:$0x0] =	sbarrier.arrive $0xFFFF  }
0x1d: {  	[tilespmem:s14], [sflag:$0x1] =	stream.indirect.gather [hbm4b:s4+s13], $0x40, s18, s13, $0xb8;
	[tilespmem:$0x11000] =	vst v63  }
0x1e: {  	_ =	swait.ge [sflag:s15], $0x2000  }
0x1f: {  	[sflag:s15] =	ssyncset.done $0x0  }
0x20: {  	s31 =	simm.s32 $0x2800;
	[sflag:s15] =	ssyncadd.s32 $0xFFFFE000  }
0x21: {  	[spmem:s1] =	stream.indirect.scatter.add.f32 [tilespmem:s14], [sflag:$0x2], $0x40, s31, s13, $0xb8;
	[tilespmem:$0x11000] =	vst v63  }
0x22: {  	_ =	swait.ge [sflag:s11], $0x2000  }
0x23: {  	s19 =	simm.s32 $0x400;
	s18 =	simm.s32 $0x200;
	[sflag:s11] =	ssyncset.done $0x0  }
.LBB2_2:
0x24: {  	s20 =	sshra.s32 s18, $0x2  }
0x25: {  	[sflag:s11] =	ssyncadd.s32 $0xFFFFE000;
	s18 =	smov.u32 s19;
	s21 =	sadd.s32 $0x200, s19  }
0x26: {  	[tilespmem:s14], [sflag:$0x1] =	stream.indirect.gather [hbm4b:s4+s13], $0x40, s20, s13, $0xb8;
	[tilespmem:$0x11000] =	vst v63  }
0x27: {  	p0 =	sne.s32 s19, $0x9E00;
	_ =	swait.ge [sflag:s15], $0x2000  }
.Ltmp0:
0x28: {  	[sflag:s15] =	ssyncset.done $0x0;
	(pc) =	sbr.rel @p0 .LBB2_2-.Ltmp0, $4  }
0x29: {  	s19 =	sadd.s32 $0x2800, s20;
	[sflag:s15] =	ssyncadd.s32 $0xFFFFE000  }
0x2a: {  	[spmem:s1] =	stream.indirect.scatter.add.f32 [tilespmem:s14], [sflag:$0x2], $0x40, s19, s13, $0xb8;
	[tilespmem:$0x11000] =	vst v63  }
0x2b: {  	_ =	swait.ge [sflag:s11], $0x2000  }
0x2c: {  	s19 =	smov.u32 s21;
	[sflag:s11] =	ssyncset.done $0x0  }
0x2d: {  	s18 =	sshra.s32 s18, $0x2;
	[sflag:s11] =	ssyncadd.s32 $0xFFFFE000  }
0x2e: {  	[tilespmem:s14], [sflag:$0x1] =	stream.indirect.gather [hbm4b:s4+s13], $0x40, s18, s13, $0xb8;
	[tilespmem:$0x11000] =	vst v63  }
0x2f: {  	_ =	swait.ge [sflag:s15], $0x2000  }
0x30: {  	[sflag:s15] =	ssyncset.done $0x0  }
0x31: {  	s18 =	sadd.s32 $0x2800, s18;
	[sflag:s15] =	ssyncadd.s32 $0xFFFFE000  }
0x32: {  	[spmem:s1] =	stream.indirect.scatter.add.f32 [tilespmem:s14], [sflag:$0x2], $0x40, s18, s13, $0xb8;
	[tilespmem:$0x11000] =	vst v63  }
0x33: {  	_ =	swait.ge [sflag:s11], $0x2000  }
0x34: {  	s17 =	sadd.s32 $0x1, s17;
	[sflag:s11] =	ssyncset.done $0x0  }
0x35: {  	p0 =	sne.s32 s17, s9;
	[sflag:s11] =	ssyncadd.s32 $0xFFFFE000  }
.Ltmp1:
0x36: {  	[bflag:$0x0] =	sbarrier.arrive $0xFFFF;
	(pc) =	sbr.rel @p0 .LBB2_1-.Ltmp1, $4  }
0x37: {  	[hbm:s16], [sflag:s6] =	dma.local [spmem:s10], $0x1400  }
0x38: {  	_ =	swait.ge [sflag:s11], $0x1400  }
0x39: {  	[sflag:s11] =	ssyncset.done $0x0  }
0x3a: {  	[sflag:s11] =	ssyncadd.s32 $0xFFFFEC00  }
0x3b: {  	_ =	sfence.sel $0x180000  }
0x3c: {  	[bflag:$0x0] =	sbarrier.arrive $0xFFFF  }
0x3d: {  	p0 =	sne.s32 s2, $0x0;
	_ =	strace $0x9000004D  }
0x3e: {  	s0 =	sadd.s32 @!p0 $0x100000, s0;
	[bflag:$0x2] =	sbarrier.arrive $0xFFFF  }
0x3f: {  	[sflag:s0] =	ssyncadd.tile.s32 @!p0 $0x1;
	_ =	shalt  }
.Lfunc_end2:
_tile_overlayer_lowered:
.L_overlay_start_2:
0x40: {  	(tag) =	ssettag $0x2  }
0x41: {  	s0 =	rddreg [dreg:$0x0];
	s2 =	stileid.u32  }
0x42: {  	s1 =	rddreg [dreg:$0x1];
	p0 =	sne.s32 s2, $0x0  }
0x43: {  	s3 =	rddreg [dreg:$0x2];
	[bflag:$0x3] =	sbarrier.arrive $0xFFFF;
	s2 =	simm.s32 @!p0 $0x1C02  }
0x44: {  	[timem:s3], [sflag:s2] =	dma.local @!p0 [hbm:s0], s1  }
0x45: {  	s0 =	simm.s32 @!p0 $0x2  }
0x46: {  	_ =	swait.ge @!p0 [sflag:s0], s1  }
0x47: {  	s1 =	ssub.s32 @!p0 $0x0, s1;
	[sflag:s0] =	ssyncset.done @!p0 $0x0  }
0x48: {  	[sflag:s0] =	ssyncadd.s32 @!p0 s1  }
0x49: {  	[bflag:$0x3] =	sbarrier.arrive $0xFFFF  }
0x4a: {  	_ =	shalt  }

// kernel: kernel.8.cloned.1.call-start
scs
__scs_entry_jumppad:
0x0: {  	(pc) =	sbr.rel $0x88, $3  }
0x1: {  	(tag) =	ssettag $0x0;
	lr =	simm.s32 $0x1  }
0x2: {  	[smem:$0x3F9E] =	sst lr;
	_ =	strace $0xD0000000  }
0x3: {  	_ = 	snop  }
0x4: {  	_ = 	snop  }
0x5: {  	_ = 	snop  }
0x6: {  	_ = 	snop  }
0x7: {  	_ = 	snop  }
__scs_overlays_trampoline_lowered:
0x8: {  	[smem:$0x3FAD] =	sst s0  }
0x9: {  	[smem:$0x3FAE] =	sst s1  }
0xa: {  	[smem:$0x3FAF] =	sst s2  }
0xb: {  	[smem:$0x3FB0] =	sst s3  }
0xc: {  	[smem:$0x3FB1] =	sst s4  }
0xd: {  	[smem:$0x3FB2] =	sst s5  }
0xe: {  	[smem:$0x3FB3] =	sst s6  }
0xf: {  	[smem:$0x3FB4] =	sst s7  }
0x10: {  	[smem:$0x3FB5] =	sst s8  }
0x11: {  	[smem:$0x3FB6] =	sst s9;
	s0 =	simm.s32 @!p0 $0x0  }
0x12: {  	s1 =	sld [smem:$0x3F9C];
	s0 =	simm.s32 @p0 $0x1  }
0x13: {  	[smem:$0x3FB7] =	sst s0;
	s0 =	simm.s32 @!p1 $0x0  }
0x14: {  	s2 =	sld [smem:$0x3F9B];
	s0 =	simm.s32 @p1 $0x1  }
0x15: {  	[smem:$0x3FB8] =	sst s0;
	s0 =	simm.s32 @!p2 $0x0  }
0x16: {  	s3 =	sld [smem:$0x3FDB];
	s0 =	simm.s32 @p2 $0x1  }
0x17: {  	s4 =	simm.s32 $0x1BF5;
	[smem:$0x3FBA] =	sst s0  }
0x18: {  	s0 =	sld [smem:$0x3F9D];
	_ =	swait.ge [sflag:s4], $0x0  }
0x19: {  	s7 =	sld [smem:$0x3F9E]  }
0x1a: {  	s8 =	sadd.s32 $0xFFFFE003, lr  }
0x1b: {  	s9 =	sadd.s32 $0xFFFFFEF7, lr;
	s5 =	simm.s32 $0xFFFFFFFF;
	p2 =	slt.u32 s8, $0xFFFFF086  }
0x1c: {  	p1 =	slt.u32 s9, $0xF7A;
	s5 =	simm.s32 @!p2 $0x0  }
0x1d: {  	s5 =	simm.s32 @p1 $0x1;
	p0 =	seq.s32 s7, s2  }
0x1e: {  	s7 =	smul.u32 @!p0 $0xF7A, s2;
	p2 =	seq.s32 @!p0 s5, $0x0  }
0x1f: {  	s9 =	smul.u32 $0xF7A, s1;
	s8 =	simm.s32 @!p0 $0x1BF5;
	p2 =	por !p2, p0  }
0x20: {  	[sflag:s8] =	ssyncset.s32 @!p0 $0xFFFFF086;
	s6 =	sadd.s32 @!p0 s3, s7;
	s7 =	simm.s32 @!p0 $0x108  }
0x21: {  	s3 =	sadd.s32 s3, s9;
	s6 =	sadd.s32 @!p0 $0x88, s6;
	s7 =	simm.s32 @p2 $0x1082  }
0x22: {  	[simem:s7], [sflag:s8] =	dma.local @!p0 [hbm:s6], $0xF7A  }
0x23: {  	s9 =	sor.u32 $0xD0000000, s2;
	s6 =	simm.s32 $0x108;
	_ =	swait.ge @!p0 [sflag:s8], $0x0  }
0x24: {  	s3 =	sadd.s32 $0x88, s3;
	s6 =	simm.s32 @!p1 $0x1082;
	[sflag:s4] =	ssyncset.s32 $0xFFFFF086  }
0x25: {  	[simem:s6], [sflag:s4] =	dma.local [hbm:s3], $0xF7A  }
0x26: {  	[smem:$0x3F9E] =	sst s1;
	(tag) =	ssettag s2;
	_ =	strace s9  }
0x27: {  	s1 =	sld [smem:$0x3FAE]  }
0x28: {  	s2 =	sld [smem:$0x3FAF]  }
0x29: {  	s4 =	sld [smem:$0x3FB1]  }
0x2a: {  	p0 =	seq.s32 s5, $0x0;
	s5 =	sld [smem:$0x3FB2]  }
0x2b: {  	s6 =	sld [smem:$0x3FB3]  }
0x2c: {  	s7 =	sld [smem:$0x3FB4]  }
0x2d: {  	s3 =	simm.s32 $0x108;
	s8 =	sld [smem:$0x3FB5]  }
0x2e: {  	s3 =	simm.s32 @!p0 $0x1082;
	s9 =	sld [smem:$0x3FB6]  }
0x2f: {  	lr =	sadd.s32 s0, s3;
	s0 =	sld [smem:$0x3FAD]  }
0x30: {  	s3 =	sld [smem:$0x3FB0]  }
0x31: {  	[smem:$0x3FB9] =	sst s10  }
0x32: {  	s10 =	sld [smem:$0x3FB7];
	_ =	sdelay $0x3  }
0x33: {  	p0 =	seq.s32 s10, $0x1;
	s10 =	sld [smem:$0x3FB9];
	_ =	sdelay $0x3  }
0x34: {  	[smem:$0x3FB9] =	sst s10  }
0x35: {  	s10 =	sld [smem:$0x3FB8];
	_ =	sdelay $0x3  }
0x36: {  	p1 =	seq.s32 s10, $0x1;
	s10 =	sld [smem:$0x3FB9];
	_ =	sdelay $0x3  }
0x37: {  	[smem:$0x3FB9] =	sst s10  }
0x38: {  	s10 =	sld [smem:$0x3FBA]  }
0x39: {  	_ = 	snop;
	(pc) =	sbr.ind lr, $3  }
0x3a: {  	_ = 	snop  }
0x3b: {  	_ = 	snop  }
0x3c: {  	p2 =	seq.s32 s10, $0x1;
	s10 =	sld [smem:$0x3FB9]  }
0x3d: {  	_ =	shalt  }
0x3e: {  	_ =	shalt  }
0x3f: {  	_ =	shalt  }
0x40: {  	_ =	shalt  }
0x41: {  	_ =	shalt  }
0x42: {  	_ =	shalt  }
0x43: {  	_ =	shalt  }
0x44: {  	_ =	shalt  }
0x45: {  	_ =	shalt  }
0x46: {  	_ =	shalt  }
0x47: {  	_ =	shalt  }
0x48: {  	_ =	shalt  }
0x49: {  	_ =	shalt  }
0x4a: {  	_ =	shalt  }
0x4b: {  	_ =	shalt  }
0x4c: {  	_ =	shalt  }
0x4d: {  	_ =	shalt  }
0x4e: {  	_ =	shalt  }
0x4f: {  	_ =	shalt  }
0x50: {  	_ =	shalt  }
0x51: {  	_ =	shalt  }
0x52: {  	_ =	shalt  }
0x53: {  	_ =	shalt  }
0x54: {  	_ =	shalt  }
0x55: {  	_ =	shalt  }
0x56: {  	_ =	shalt  }
0x57: {  	_ =	shalt  }
0x58: {  	_ =	shalt  }
0x59: {  	_ =	shalt  }
0x5a: {  	_ =	shalt  }
0x5b: {  	_ =	shalt  }
0x5c: {  	_ =	shalt  }
0x5d: {  	_ =	shalt  }
0x5e: {  	_ =	shalt  }
0x5f: {  	_ =	shalt  }
0x60: {  	_ =	shalt  }
0x61: {  	_ =	shalt  }
0x62: {  	_ =	shalt  }
0x63: {  	_ =	shalt  }
0x64: {  	_ =	shalt  }
0x65: {  	_ =	shalt  }
0x66: {  	_ =	shalt  }
0x67: {  	_ =	shalt  }
0x68: {  	_ =	shalt  }
0x69: {  	_ =	shalt  }
0x6a: {  	_ =	shalt  }
0x6b: {  	_ =	shalt  }
0x6c: {  	_ =	shalt  }
0x6d: {  	_ =	shalt  }
0x6e: {  	_ =	shalt  }
0x6f: {  	_ =	shalt  }
0x70: {  	_ =	shalt  }
0x71: {  	_ =	shalt  }
0x72: {  	_ =	shalt  }
0x73: {  	_ =	shalt  }
0x74: {  	_ =	shalt  }
0x75: {  	_ =	shalt  }
0x76: {  	_ =	shalt  }
0x77: {  	_ =	shalt  }
0x78: {  	_ =	shalt  }
0x79: {  	_ =	shalt  }
0x7a: {  	_ =	shalt  }
0x7b: {  	_ =	shalt  }
0x7c: {  	_ =	shalt  }
0x7d: {  	_ =	shalt  }
0x7e: {  	_ =	shalt  }
0x7f: {  	_ =	shalt  }
0x80: {  	_ =	shalt  }
0x81: {  	_ =	shalt  }
0x82: {  	_ =	shalt  }
0x83: {  	_ =	shalt  }
0x84: {  	_ =	shalt  }
0x85: {  	_ =	shalt  }
0x86: {  	_ =	shalt  }
0x87: {  	_ =	shalt  }
.Lfunc_end0:
.L_simem_size_0:
called_computation_lowered:
.L_overlay_start_0:
0x88: {  	s2 =	sld [smem:$0x3FD9]  }
0x89: {  	s3 =	sld [smem:$0x3FFE];
	_ =	sdelay $0x1  }
0x8a: {  	s1 =	srdreg.scid  }
0x8b: {  	s0 =	sand.u32 $0x1, s1  }
0x8c: {  	s17 =	sshll.u32 s0, $0xA;
	s2 =	sadd.s32 s3, s2  }
0x8d: {  	s2 =	sadd.s32 s2, s17  }
0x8e: {  	[smem:$0x3FC5] =	sst s2  }
0x8f: {  	_ = 	snop  }
0x90: {  	s2 =	sld [smem:$0x3FD0];
	(tm) =	ssettm $0x1  }
0x91: {  	s18 =	sld [smem:$0x3FFB];
	_ =	sdelay $0x3  }
0x92: {  	_ =	strace s18  }
0x93: {  	s3 =	sld [smem:$0x3FFC];
	_ =	sdelay $0x3  }
0x94: {  	_ =	strace s3  }
0x95: {  	s3 =	sld [smem:$0x3FFD];
	_ =	sdelay $0x3  }
0x96: {  	_ =	strace s3  }
0x97: {  	_ =	strace $0x8FFFFFFF  }
0x98: {  	s19 =	sld [smem:$0x3FDB];
	_ =	sdelay $0x1  }
0x99: {  	s4 =	simm.s32 $_scs_section_size  }
0x9a: {  	s5 =	simm.s32 $_size__tile_overlayer_lowered;
	s6 =	simm.s32 $_tile_overlayer_lowered  }
0x9b: {  	s22 =	simm.s32 $0x1BFF;
	s21 =	sshll.u32 s6, $0x1;
	s3 =	sadd.s32 s4, s19  }
0x9c: {  	s7 =	simm.s32 $0x0;
	s20 =	sshll.u32 s5, $0x1;
	s5 =	sadd.s32 s21, s3  }
0x9d: {  	[timem:s7], [sflag:s22] =	dma.local [hbm:s5], s20  }
0x9e: {  	_ =	swait.ge [sflag:s22], s20  }
0x9f: {  	s4 =	ssub.s32 $0x0, s20;
	[sflag:s22] =	ssyncset.done $0x0  }
0xa0: {  	[sflag:s22] =	ssyncadd.s32 s4;
	_ =	sdelay $0x1  }
0xa1: {  	s23 =	simm.s32 $0x1B8B  }
0xa2: {  	_ =	swait.ge [sflag:s23], $0x1  }
0xa3: {  	[sflag:s23] =	ssyncset.done $0x0  }
0xa4: {  	s25 =	simm.s32 $0x1B8E;
	s24 =	sld [smem:$0x3FFE];
	[sflag:s23] =	ssyncadd.s32 $0xFFFFFFFF  }
0xa5: {  	s26 =	simm.s32 $execute0_lowered;
	[smem:$0x3FD2] =	sst s25  }
0xa6: {  	s5 =	sshll.u32 s26, $0x1;
	_ =	strace $0x80000046;
	[dreg:$0x1] =	wrdreg $0xFFFFFFFF  }
0xa7: {  	s28 =	simm.s32 $_size_execute0_lowered;
	s3 =	sadd.s32 s3, s5;
	[dreg:$0x0] =	wrdreg $0x0  }
0xa8: {  	s5 =	sshll.u32 s28, $0x1;
	[dreg:$0x2] =	wrdreg s3  }
0xa9: {  	[dreg:$0x3] =	wrdreg s5  }
0xaa: {  	[dreg:$0x4] =	wrdreg $0xC0  }
0xab: {  	_ =	task [dreg:s7], $0x5FFFF  }
0xac: {  	[dreg:$0x1] =	wrdreg $0xFFFFFFFF  }
0xad: {  	[dreg:$0x0] =	wrdreg $0x60  }
0xae: {  	[dreg:$0x2] =	wrdreg s2  }
0xaf: {  	[dreg:$0x3] =	wrdreg s24  }
0xb0: {  	[dreg:$0x4] =	wrdreg $0x28800  }
0xb1: {  	[dreg:$0x5] =	wrdreg $0x9  }
0xb2: {  	_ =	task.clear_ibuf [dreg:s7], $0x6FFFF;
	_ =	strace $0x90000046  }
0xb3: {  	s29 =	simm.s32 $0x9;
	_ =	strace $0x80000048  }
0xb4: {  	_ =	swait.ge [sflag:s29], $0x1  }
0xb5: {  	[sflag:s29] =	ssyncadd.s32 $0xFFFFFFFF  }
0xb6: {  	_ =	strace $0x90000048  }
0xb7: {  	_ =	sfence  }
0xb8: {  	s30 =	sld [smem:$0x0];
	_ =	sdelay $0x2  }
0xb9: {  	s31 =	sshll.u32 s1, $0xD;
	s1 =	sshrl.u32 s1, $0x2  }
0xba: {  	s3 =	sand.u32 $0x4000, s31;
	s1 =	sadd.s32 s1, s30  }
0xbb: {  	s0 =	sor.u32 s3, s0;
	s1 =	sshll.u32 s1, $0x11  }
0xbc: {  	s0 =	sor.u32 s1, s0  }
0xbd: {  	s0 =	sadd.s32 $0x8F2B, s0  }
0xbe: {  	[sflag:s0] =	ssyncadd.remote.s32 $0x1  }
0xbf: {  	_ =	sfence.sel $0xFFFF  }
0xc0: {  	[dreg:$0x0] =	wrdreg $0xFFFFFFFF;
	(pc) =	sbr.abs _section_cstart, $3  }
0xc1: {  	[dreg:$0x1] =	wrdreg $0xFFFFFFFF  }
0xc2: {  	_ =	task.clear_ibuf [dreg:s7], $0x2FFFF;
	_ =	strace $0x9FFFFFFF  }
0xc3: {  	(tm) =	ssettm $0x7FFFFFFF  }
tec
execute0_lowered:
.L_overlay_start_1:
0x0: {  	(tag) =	ssettag $0x1  }
0x1: {  	s7 =	rddreg [dreg:$0x0]  }
0x2: {  	s5 =	rddreg [dreg:$0x1]  }
0x3: {  	s2 =	rddreg [dreg:$0x2]  }
0x4: {  	s0 =	rddreg [dreg:$0x3]  }
0x5: {  	s3 =	simm.s32 $0x0;
	s1 =	stileid.u32;
	s8 =	srdreg.scid  }
0x6: {  	s16 =	simm.s32 $0x0;
	[smem:$0x7FF] =	sst s3;
	s6 =	smul.u32 $0x280, s1  }
0x7: {  	s4 =	sadd.s32 $0x1200, s5;
	s8 =	sand.u32 $0x1, s8;
	s12 =	sshll.u32 s1, $0x6  }
0x8: {  	s15 =	smul.u32 $0xA0, s1;
	_ =	strace $0x80000047;
	s10 =	sshll.u32 s8, $0x4  }
0x9: {  	s8 =	ssub.s32 $0x2, s8;
	s9 =	sshrl.u32 s6, $0x3;
	s11 =	sadd.s32 s10, s5  }
0xa: {  	s31 =	sshrl.u32 s8, $0x1;
	s10 =	sor.u32 s1, s10;
	s13 =	sadd.s32 s6, s2  }
0xb: {  	s6 =	sor.u32 $0x1C01, s12;
	s12 =	simm.s32 $0x80;
	s9 =	sadd.s32 s9, s5  }
0xc: {  	s8 =	ssub.s32 s8, s31;
	s10 =	smul.u32 $0x500, s10;
	s14 =	sadd.s32 $0x1A00, s11  }
0xd: {  	s11 =	simm.s32 $0x2800;
	s5 =	sadd.s32 $0x1400, s9;
	s8 =	smax.u32 s8, $0x1  }
0xe: {  	s9 =	sshrl.u32 s13, $0x3;
	s13 =	sadd.s32 s15, s14;
	s14 =	simm.s32 $0x20  }
0xf: {  	s15 =	simm.s32 $0x10;
	s7 =	sadd.s32 s7, s10;
	s10 =	simm.s32 $0x1  }
.LBB2_1:
0x10: {  	[spmem:s9], [sflag:s6] =	dma.local [hbm:s5], $0x50  }
0x11: {  	_ =	swait.ge [sflag:s10], $0x50  }
0x12: {  	[sflag:s10] =	ssyncset.done $0x0  }
0x13: {  	[sflag:s10] =	ssyncadd.s32 $0xFFFFFFB0  }
0x14: {  	[tilespmem:s11], [sflag:$0x1] =	stream.linear.gather [hbm4b:s4+s3], $0x80, $0x38;
	[tilespmem:$0x2B00] =	vst v63  }
0x15: {  	_ =	swait.ge [sflag:s10], $0x80  }
0x16: {  	[sflag:s10] =	ssyncset.done $0x0  }
0x17: {  	[sflag:s10] =	ssyncadd.s32 $0xFFFFFF80  }
0x18: {  	[tilespmem:s3], [sflag:$0x1] =	stream.linear.gather [hbm4b:s7+s3], $0x2800, $0x38;
	[tilespmem:$0x2B00] =	vst v63  }
0x19: {  	_ =	swait.ge [sflag:s10], $0x2800  }
0x1a: {  	[sflag:s10] =	ssyncset.done $0x0  }
0x1b: {  	[sflag:s10] =	ssyncadd.s32 $0xFFFFD800  }
0x1c: {  	s17 =	simm.s32 $0x0;
	[bflag:$0x0] =	sbarrier.arrive $0xFFFF  }
0x1d: {  	[spmem:s2] =	stream.indirect.scatter.add.f32 [tilespmem:s11], [sflag:$0x1], $0x1, s17, s12, $0xb8;
	[tilespmem:$0x2B00] =	vst v63  }
0x1e: {  	_ =	swait.ge [sflag:s10], $0x80  }
0x1f: {  	s17 =	simm.s32 $0x200;
	[sflag:s10] =	ssyncset.done $0x0  }
.LBB2_2:
0x20: {  	s18 =	sshra.s32 s17, $0x2;
	[sflag:s10] =	ssyncadd.s32 $0xFFFFFF80;
	p0 =	sne.s32 s17, $0x9E00  }
0x21: {  	[spmem:s2] =	stream.indirect.scatter.add.f32 [tilespmem:s11], [sflag:$0x1], $0x1, s18, s12, $0xb8;
	[tilespmem:$0x2B00] =	vst v63  }
.Ltmp0:
0x22: {  	_ = 	snop;
	(pc) =	sbr.rel @p0 .LBB2_2-.Ltmp0, $4  }
0x23: {  	_ = 	snop  }
0x24: {  	s17 =	sadd.s32 $0x200, s17  }
0x25: {  	_ =	swait.ge [sflag:s10], $0x80  }
0x26: {  	[sflag:s10] =	ssyncset.done $0x0  }
0x27: {  	s16 =	sadd.s32 $0x1, s16  }
0x28: {  	[sflag:s10] =	ssyncadd.s32 $0xFFFFFF80;
	p0 =	sne.s32 s16, s8  }
.Ltmp1:
0x29: {  	[bflag:$0x0] =	sbarrier.arrive $0xFFFF;
	(pc) =	sbr.rel @p0 .LBB2_1-.Ltmp1, $4  }
0x2a: {  	[hbm:s13@s14], [sflag:s6] =	dma.strided [spmem:s9@s15], $0x50, s10, $0x10   }
0x2b: {  	_ =	swait.ge [sflag:s10], $0x50  }
0x2c: {  	[sflag:s10] =	ssyncset.done $0x0  }
0x2d: {  	[sflag:s10] =	ssyncadd.s32 $0xFFFFFFB0  }
0x2e: {  	_ =	sfence.sel $0x180000  }
0x2f: {  	[bflag:$0x0] =	sbarrier.arrive $0xFFFF  }
0x30: {  	p0 =	sne.s32 s1, $0x0;
	_ =	strace $0x90000047  }
0x31: {  	s0 =	sadd.s32 @!p0 $0x100000, s0;
	[bflag:$0x2] =	sbarrier.arrive $0xFFFF  }
0x32: {  	[sflag:s0] =	ssyncadd.tile.s32 @!p0 $0x1;
	_ =	shalt  }
.Lfunc_end2:
_tile_overlayer_lowered:
.L_overlay_start_2:
0x33: {  	(tag) =	ssettag $0x2  }
0x34: {  	s0 =	rddreg [dreg:$0x0];
	s2 =	stileid.u32  }
0x35: {  	s1 =	rddreg [dreg:$0x1];
	p0 =	sne.s32 s2, $0x0  }
0x36: {  	s3 =	rddreg [dreg:$0x2];
	[bflag:$0x3] =	sbarrier.arrive $0xFFFF;
	s2 =	simm.s32 @!p0 $0x1C01  }
0x37: {  	[timem:s3], [sflag:s2] =	dma.local @!p0 [hbm:s0], s1  }
0x38: {  	s0 =	simm.s32 @!p0 $0x1  }
0x39: {  	_ =	swait.ge @!p0 [sflag:s0], s1  }
0x3a: {  	s1 =	ssub.s32 @!p0 $0x0, s1;
	[sflag:s0] =	ssyncset.done @!p0 $0x0  }
0x3b: {  	[sflag:s0] =	ssyncadd.s32 @!p0 s1  }
0x3c: {  	[bflag:$0x3] =	sbarrier.arrive $0xFFFF  }
0x3d: {  	_ =	shalt  }

</sc_bundles>
